<compile_context>
chip_gen: v7x
topology: tpu7x:2x2x1
jax: 0.10.2.dev20260603
libtpu: 0.0.44.dev20260713+nightly
codegen_flags: <defaults>
</compile_context>

<pallas_src>
import functools

import jax
import jax.numpy as jnp
from jax import lax
from jax.experimental import pallas as pl
from jax.experimental.pallas import tpu as pltpu
from jax.experimental.pallas import tpu_sc as plsc

_NC = 2
_NS = 16
_L = 16

_BCAST_DNUMS = lax.GatherDimensionNumbers(
    offset_dims=(), collapsed_slice_dims=(0,), start_index_map=(0,)
)


def _bcast_lane(vec, i):
    idx = jnp.full((_L, 1), i, jnp.int32)
    return lax.gather(
        vec, idx, _BCAST_DNUMS, (1,),
        mode=lax.GatherScatterMode.PROMISE_IN_BOUNDS,
    )


def _build(n_edges, vocab, emb, chunk, interpret=False):
    nw = _NC * _NS
    b_per_w = n_edges // nw
    n_chunks = b_per_w // chunk
    groups = chunk // _L
    assert n_chunks % 2 == 0 and groups * _L == chunk
    assert nw * b_per_w == n_edges and emb == _L

    mesh = plsc.VectorSubcoreMesh(core_axis_name="c", subcore_axis_name="s")

    @functools.partial(
        pl.kernel,
        out_type=jax.ShapeDtypeStruct((n_edges * emb,), jnp.float32),
        mesh=mesh,
        scratch_types=[
            pltpu.VMEM((vocab * emb,), jnp.float32),
            pltpu.VMEM((chunk,), jnp.int32),
            pltpu.VMEM((chunk,), jnp.int32),
            pltpu.VMEM((chunk * emb,), jnp.float32),
            pltpu.VMEM((chunk * emb,), jnp.float32),
            pltpu.SemaphoreType.DMA,
            pltpu.SemaphoreType.DMA,
            pltpu.SemaphoreType.DMA,
            pltpu.SemaphoreType.DMA,
        ],
        interpret=interpret,
        compiler_params=pltpu.CompilerParams(needs_layout_passes=False),
    )
    def k(idx_hbm, table_hbm, out_hbm, table_v, idx_a, idx_b, rows_a, rows_b,
          sia, sib, soa, sob):
        wid = lax.axis_index("s") * _NC + lax.axis_index("c")
        base_w = wid * b_per_w
        lane = lax.iota(jnp.int32, _L)

        pltpu.sync_copy(table_hbm, table_v)

        def idx_src(c):
            return idx_hbm.at[pl.ds(base_w + c * chunk, chunk)]

        def out_dst(c):
            return out_hbm.at[pl.ds((base_w + c * chunk) * emb, chunk * emb)]

        def compute_chunk(idx_v, rows_v):
            @plsc.parallel_loop(0, groups, unroll=2)
            def _(g):
                off = pl.multiple_of(g * _L, _L)
                srcb = idx_v[pl.ds(off, _L)] * emb
                for i in range(_L):
                    addr = _bcast_lane(srcb, i) + lane
                    row = plsc.load_gather(table_v, [addr])
                    rows_v[pl.ds((off + i) * emb, emb)] = row

        pltpu.async_copy(idx_src(0), idx_a, sia)
        pltpu.async_copy(idx_src(1), idx_b, sib)

        def pair_body(t, carry):
            c0 = t * 2
            c1 = c0 + 1

            pltpu.make_async_copy(idx_src(c0), idx_a, sia).wait()

            @pl.when(t > 0)
            def _():
                pltpu.make_async_copy(rows_a, out_dst(c0), soa).wait()

            compute_chunk(idx_a, rows_a)

            @pl.when(t < n_chunks // 2 - 1)
            def _():
                pltpu.async_copy(idx_src(c0 + 2), idx_a, sia)

            pltpu.async_copy(rows_a, out_dst(c0), soa)

            pltpu.make_async_copy(idx_src(c1), idx_b, sib).wait()

            @pl.when(t > 0)
            def _():
                pltpu.make_async_copy(rows_b, out_dst(c1), sob).wait()

            compute_chunk(idx_b, rows_b)

            @pl.when(t < n_chunks // 2 - 1)
            def _():
                pltpu.async_copy(idx_src(c1 + 2), idx_b, sib)

            pltpu.async_copy(rows_b, out_dst(c1), sob)
            return carry

        lax.fori_loop(0, n_chunks // 2, pair_body, 0)

        pltpu.make_async_copy(rows_a, out_dst(n_chunks - 2), soa).wait()
        pltpu.make_async_copy(rows_b, out_dst(n_chunks - 1), sob).wait()

    return k


def kernel(edge_attr, edge_embedding_weight):
    n_edges = edge_attr.shape[0]
    vocab, emb = edge_embedding_weight.shape
    k = _build(n_edges, vocab, emb, chunk=2000)
    flat = k(edge_attr.astype(jnp.int32), edge_embedding_weight.reshape(-1))
    return flat.reshape(n_edges, emb)

# --- scband reference (transcript-rebuilt; emitter-appended) ---
"""Pipeline reference for scband-motif-bond-encoder-31224412242438 (READ-ONLY COPY).

The authoritative reference and input builder live on the scoring server;
editing this copy changes nothing except your own understanding.
"""

import jax, jax.numpy as jnp
import numpy as np

EMB_DIM = 16
NUM_EDGE_TYPES = 32
N_EDGES = 3200000

def setup_inputs(seed: int = 0) -> dict:
    key = jax.random.key(seed)
    k1, k2 = jax.random.split(key)
    edge_attr = jax.random.randint(k1, (N_EDGES,), 0, NUM_EDGE_TYPES, dtype=jnp.int64 if jax.config.jax_enable_x64 else jnp.int32)
    # xavier_uniform init for embedding weight [num_edge_types, emb_dim]
    fan_in, fan_out = NUM_EDGE_TYPES, EMB_DIM
    bound = float(np.sqrt(6.0 / (fan_in + fan_out)))
    edge_embedding_weight = jax.random.uniform(k2, (NUM_EDGE_TYPES, EMB_DIM), dtype=jnp.float32, minval=-bound, maxval=bound)
    return {"edge_attr": edge_attr, "edge_embedding_weight": edge_embedding_weight}

def reference(edge_attr, edge_embedding_weight):
    # Faithful translation of MotifBondEncoder.forward: embedding lookup (gather).
    # (range check is a python-side assertion in torch; indices are constructed in-range)
    return jnp.take(edge_embedding_weight, edge_attr, axis=0)

if __name__ == "__main__":
    import jax
    _d = setup_inputs()
    print(jax.jit(kernel)(*tuple(_d.values())))

</pallas_src>

<mosaic_0001>
#map = affine_map<(d0, d1) -> (0)>
module attributes {stable_mosaic.version = 14 : i64} {
  func.func @k(%arg0: i32, %arg1: i32, %arg2: memref<3200000xi32, #tpu.memory_space<hbm>>, %arg3: memref<512xf32, #tpu.memory_space<hbm>>, %arg4: memref<51200000xf32, #tpu.memory_space<hbm>>, %arg5: memref<512xf32, #tpu.memory_space<vmem>>, %arg6: memref<2000xi32, #tpu.memory_space<vmem>>, %arg7: memref<2000xi32, #tpu.memory_space<vmem>>, %arg8: memref<32000xf32, #tpu.memory_space<vmem>>, %arg9: memref<32000xf32, #tpu.memory_space<vmem>>, %arg10: memref<!tpu.dma_semaphore, #tpu.memory_space<semaphore_mem>>, %arg11: memref<!tpu.dma_semaphore, #tpu.memory_space<semaphore_mem>>, %arg12: memref<!tpu.dma_semaphore, #tpu.memory_space<semaphore_mem>>, %arg13: memref<!tpu.dma_semaphore, #tpu.memory_space<semaphore_mem>>) attributes {dimension_semantics = [#tpu.dimension_semantics<core_parallel>, #tpu.dimension_semantics<subcore_parallel>], iteration_bounds = array<i64: 2, 16>, scalar_prefetch = 0 : i64, scratch_operands = 9 : i64, tpu.core_type = #tpu.core_type<sc_vector_subcore>, window_params = [{transform_indices = #map}, {transform_indices = #map}, {transform_indices = #map}]} {
    %mul3A = arith.constant 2 : i32
    %mul3A_0 = arith.muli %arg1, %mul3A : i32
    %add3A = arith.addi %mul3A_0, %arg0 : i32
    %mul3A_1 = arith.constant 100000 : i32
    %mul3A_2 = arith.muli %add3A, %mul3A_1 : i32
    %iota3A = tpu.iota {dimensions = array<i32: 0>} : vector<16xi32>
    "tpu.region"() ({
      %run_scoped3A = tpu.sem_alloc : memref<!tpu.dma_semaphore, #tpu.memory_space<semaphore_mem>>
      tpu.enqueue_dma source(%arg3 : memref<512xf32, #tpu.memory_space<hbm>>) target(%arg5 : memref<512xf32, #tpu.memory_space<vmem>>) target_semaphore(%run_scoped3A : memref<!tpu.dma_semaphore, #tpu.memory_space<semaphore_mem>>)
      tpu.wait_dma2 semaphore(%run_scoped3A : memref<!tpu.dma_semaphore, #tpu.memory_space<semaphore_mem>>) src(%arg3 : memref<512xf32, #tpu.memory_space<hbm>>) dst(%arg5 : memref<512xf32, #tpu.memory_space<vmem>>)
      tpu.yield
    }) : () -> ()
    %add3A_3 = arith.constant 0 : i32
    %add3A_4 = arith.addi %mul3A_2, %add3A_3 : i32
    %dma_start3A = tpu.memref_slice %arg2[%add3A_4] : memref<3200000xi32, #tpu.memory_space<hbm>> -> memref<2000xi32, #tpu.memory_space<hbm>>
    %dma_start3A_5 = tpu.memref_slice %arg2[%add3A_4] : memref<3200000xi32, #tpu.memory_space<hbm>> -> memref<2000xi32, #tpu.memory_space<hbm>>
    tpu.enqueue_dma source(%dma_start3A_5 : memref<2000xi32, #tpu.memory_space<hbm>>) target(%arg6 : memref<2000xi32, #tpu.memory_space<vmem>>) target_semaphore(%arg10 : memref<!tpu.dma_semaphore, #tpu.memory_space<semaphore_mem>>)
    %add3A_6 = arith.constant 2000 : i32
    %add3A_7 = arith.addi %mul3A_2, %add3A_6 : i32
    %dma_start3A_8 = tpu.memref_slice %arg2[%add3A_7] : memref<3200000xi32, #tpu.memory_space<hbm>> -> memref<2000xi32, #tpu.memory_space<hbm>>
    %dma_start3A_9 = tpu.memref_slice %arg2[%add3A_7] : memref<3200000xi32, #tpu.memory_space<hbm>> -> memref<2000xi32, #tpu.memory_space<hbm>>
    tpu.enqueue_dma source(%dma_start3A_9 : memref<2000xi32, #tpu.memory_space<hbm>>) target(%arg7 : memref<2000xi32, #tpu.memory_space<vmem>>) target_semaphore(%arg11 : memref<!tpu.dma_semaphore, #tpu.memory_space<semaphore_mem>>)
    %scan3A = arith.constant 0 : i32
    %scan3A_10 = arith.constant 0 : i32
    %scan3A_11 = arith.constant 25 : i32
    %scan3A_12 = arith.addi %scan3A_10, %scan3A_11 : i32
    %scan3A_13 = arith.constant 1 : i32
    scf.for %scan3A_26 = %scan3A_10 to %scan3A_12 step %scan3A_13  : i32 {
      %mul3A_27 = arith.constant 2 : i32
      %mul3A_28 = arith.muli %scan3A_26, %mul3A_27 : i32
      %add3A_29 = arith.constant 1 : i32
      %add3A_30 = arith.addi %mul3A_28, %add3A_29 : i32
      %mul3A_31 = arith.constant 2000 : i32
      %mul3A_32 = arith.muli %mul3A_28, %mul3A_31 : i32
      %add3A_33 = arith.addi %mul3A_2, %mul3A_32 : i32
      %dma_wait3A_34 = tpu.memref_slice %arg2[%add3A_33] : memref<3200000xi32, #tpu.memory_space<hbm>> -> memref<2000xi32, #tpu.memory_space<hbm>>
      %dma_wait3A_35 = tpu.memref_slice %arg2[%add3A_33] : memref<3200000xi32, #tpu.memory_space<hbm>> -> memref<2000xi32, #tpu.memory_space<hbm>>
      tpu.wait_dma2 semaphore(%arg10 : memref<!tpu.dma_semaphore, #tpu.memory_space<semaphore_mem>>) src(%dma_wait3A_35 : memref<2000xi32, #tpu.memory_space<hbm>>) dst(%arg6 : memref<2000xi32, #tpu.memory_space<vmem>>)
      %gt3A = arith.constant 0 : i32
      %gt3A_36 = arith.cmpi sgt, %scan3A_26, %gt3A : i32
      %convert_element_type3A = arith.extui %gt3A_36 : i1 to i32
      %cond3A = arith.constant 0 : i32
      %cond3A_37 = arith.cmpi ne, %convert_element_type3A, %cond3A : i32
      scf.if %cond3A_37 {
        %mul3A_76 = arith.constant 2000 : i32
        %mul3A_77 = arith.muli %mul3A_28, %mul3A_76 : i32
        %add3A_78 = arith.addi %mul3A_2, %mul3A_77 : i32
        %mul3A_79 = arith.constant 16 : i32
        %mul3A_80 = arith.muli %add3A_78, %mul3A_79 : i32
        %dma_wait3A_81 = tpu.memref_slice %arg4[%mul3A_80] : memref<51200000xf32, #tpu.memory_space<hbm>> -> memref<32000xf32, #tpu.memory_space<hbm>>
        %dma_wait3A_82 = tpu.memref_slice %arg4[%mul3A_80] : memref<51200000xf32, #tpu.memory_space<hbm>> -> memref<32000xf32, #tpu.memory_space<hbm>>
        tpu.wait_dma2 semaphore(%arg12 : memref<!tpu.dma_semaphore, #tpu.memory_space<semaphore_mem>>) src(%arg8 : memref<32000xf32, #tpu.memory_space<vmem>>) dst(%dma_wait3A_82 : memref<32000xf32, #tpu.memory_space<hbm>>)
      } else {
      }
      %parallel_loop3A = arith.constant 0 : i32
      %parallel_loop3A_38 = arith.constant 125 : i32
      %parallel_loop3A_39 = arith.constant 1 : i32
      scf.for %parallel_loop3A_76 = %parallel_loop3A to %parallel_loop3A_38 step %parallel_loop3A_39  : i32 {
        %parallel_loop3A_77 = arith.constant 16 : i32
        %parallel_loop3A_78 = arith.muli %parallel_loop3A_76, %parallel_loop3A_77 : i32
        %parallel_loop3A_79 = tpu.assume_multiple %parallel_loop3A_78, 16 : i32
        %parallel_loop3A_80 = arith.index_cast %parallel_loop3A_79 : i32 to index
        %parallel_loop3A_81 = tpu.vector_load %arg6[%parallel_loop3A_80] {strides = array<i32>} : memref<2000xi32, #tpu.memory_space<vmem>>, vector<16xi32>,
        %parallel_loop3A_82 = arith.constant 16 : i32
        %parallel_loop3A_83 = vector.broadcast %parallel_loop3A_82 : i32 to vector<16xi32>
        %parallel_loop3A_84 = arith.muli %parallel_loop3A_81, %parallel_loop3A_83 : vector<16xi32>
        %parallel_loop3A_85 = arith.constant 0 : i32
        %parallel_loop3A_86 = vector.broadcast %parallel_loop3A_85 : i32 to vector<16x1xi32>
        %parallel_loop3A_87 = vector.shape_cast %parallel_loop3A_86 : vector<16x1xi32> to vector<16xi32>
        %parallel_loop3A_88 = tpu.dynamic_gather %parallel_loop3A_84[%parallel_loop3A_87] in [0] : vector<16xi32>, vector<16xi32> -> vector<16xi32>
        %parallel_loop3A_89 = arith.addi %parallel_loop3A_88, %iota3A : vector<16xi32>
        %parallel_loop3A_90 = tpu.vector_load_idx %arg5[%parallel_loop3A_89] : memref<512xf32, #tpu.memory_space<vmem>>[vector<16xi32>], vector<16xf32>,
        %parallel_loop3A_91 = arith.constant 0 : i32
        %parallel_loop3A_92 = arith.addi %parallel_loop3A_79, %parallel_loop3A_91 : i32
        %parallel_loop3A_93 = arith.constant 16 : i32
        %parallel_loop3A_94 = arith.muli %parallel_loop3A_92, %parallel_loop3A_93 : i32
        %parallel_loop3A_95 = arith.index_cast %parallel_loop3A_94 : i32 to index
        %parallel_loop3A_96 = tpu.vector_load %arg8[%parallel_loop3A_95] {strides = array<i32>} : memref<32000xf32, #tpu.memory_space<vmem>>, vector<16xf32>,
        tpu.vector_store %arg8[%parallel_loop3A_95], %parallel_loop3A_90 {strides = array<i32>} : memref<32000xf32, #tpu.memory_space<vmem>>, vector<16xf32>,
        %parallel_loop3A_97 = arith.constant 1 : i32
        %parallel_loop3A_98 = vector.broadcast %parallel_loop3A_97 : i32 to vector<16x1xi32>
        %parallel_loop3A_99 = vector.shape_cast %parallel_loop3A_98 : vector<16x1xi32> to vector<16xi32>
        %parallel_loop3A_100 = tpu.dynamic_gather %parallel_loop3A_84[%parallel_loop3A_99] in [0] : vector<16xi32>, vector<16xi32> -> vector<16xi32>
        %parallel_loop3A_101 = arith.addi %parallel_loop3A_100, %iota3A : vector<16xi32>
        %parallel_loop3A_102 = tpu.vector_load_idx %arg5[%parallel_loop3A_101] : memref<512xf32, #tpu.memory_space<vmem>>[vector<16xi32>], vector<16xf32>,
        %parallel_loop3A_103 = arith.constant 1 : i32
        %parallel_loop3A_104 = arith.addi %parallel_loop3A_79, %parallel_loop3A_103 : i32
        %parallel_loop3A_105 = arith.constant 16 : i32
        %parallel_loop3A_106 = arith.muli %parallel_loop3A_104, %parallel_loop3A_105 : i32
        %parallel_loop3A_107 = arith.index_cast %parallel_loop3A_106 : i32 to index
        %parallel_loop3A_108 = tpu.vector_load %arg8[%parallel_loop3A_107] {strides = array<i32>} : memref<32000xf32, #tpu.memory_space<vmem>>, vector<16xf32>,
        tpu.vector_store %arg8[%parallel_loop3A_107], %parallel_loop3A_102 {strides = array<i32>} : memref<32000xf32, #tpu.memory_space<vmem>>, vector<16xf32>,
        %parallel_loop3A_109 = arith.constant 2 : i32
        %parallel_loop3A_110 = vector.broadcast %parallel_loop3A_109 : i32 to vector<16x1xi32>
        %parallel_loop3A_111 = vector.shape_cast %parallel_loop3A_110 : vector<16x1xi32> to vector<16xi32>
        %parallel_loop3A_112 = tpu.dynamic_gather %parallel_loop3A_84[%parallel_loop3A_111] in [0] : vector<16xi32>, vector<16xi32> -> vector<16xi32>
        %parallel_loop3A_113 = arith.addi %parallel_loop3A_112, %iota3A : vector<16xi32>
        %parallel_loop3A_114 = tpu.vector_load_idx %arg5[%parallel_loop3A_113] : memref<512xf32, #tpu.memory_space<vmem>>[vector<16xi32>], vector<16xf32>,
        %parallel_loop3A_115 = arith.constant 2 : i32
        %parallel_loop3A_116 = arith.addi %parallel_loop3A_79, %parallel_loop3A_115 : i32
        %parallel_loop3A_117 = arith.constant 16 : i32
        %parallel_loop3A_118 = arith.muli %parallel_loop3A_116, %parallel_loop3A_117 : i32
        %parallel_loop3A_119 = arith.index_cast %parallel_loop3A_118 : i32 to index
        %parallel_loop3A_120 = tpu.vector_load %arg8[%parallel_loop3A_119] {strides = array<i32>} : memref<32000xf32, #tpu.memory_space<vmem>>, vector<16xf32>,
        tpu.vector_store %arg8[%parallel_loop3A_119], %parallel_loop3A_114 {strides = array<i32>} : memref<32000xf32, #tpu.memory_space<vmem>>, vector<16xf32>,
        %parallel_loop3A_121 = arith.constant 3 : i32
        %parallel_loop3A_122 = vector.broadcast %parallel_loop3A_121 : i32 to vector<16x1xi32>
        %parallel_loop3A_123 = vector.shape_cast %parallel_loop3A_122 : vector<16x1xi32> to vector<16xi32>
        %parallel_loop3A_124 = tpu.dynamic_gather %parallel_loop3A_84[%parallel_loop3A_123] in [0] : vector<16xi32>, vector<16xi32> -> vector<16xi32>
        %parallel_loop3A_125 = arith.addi %parallel_loop3A_124, %iota3A : vector<16xi32>
        %parallel_loop3A_126 = tpu.vector_load_idx %arg5[%parallel_loop3A_125] : memref<512xf32, #tpu.memory_space<vmem>>[vector<16xi32>], vector<16xf32>,
        %parallel_loop3A_127 = arith.constant 3 : i32
        %parallel_loop3A_128 = arith.addi %parallel_loop3A_79, %parallel_loop3A_127 : i32
        %parallel_loop3A_129 = arith.constant 16 : i32
        %parallel_loop3A_130 = arith.muli %parallel_loop3A_128, %parallel_loop3A_129 : i32
        %parallel_loop3A_131 = arith.index_cast %parallel_loop3A_130 : i32 to index
        %parallel_loop3A_132 = tpu.vector_load %arg8[%parallel_loop3A_131] {strides = array<i32>} : memref<32000xf32, #tpu.memory_space<vmem>>, vector<16xf32>,
        tpu.vector_store %arg8[%parallel_loop3A_131], %parallel_loop3A_126 {strides = array<i32>} : memref<32000xf32, #tpu.memory_space<vmem>>, vector<16xf32>,
        %parallel_loop3A_133 = arith.constant 4 : i32
        %parallel_loop3A_134 = vector.broadcast %parallel_loop3A_133 : i32 to vector<16x1xi32>
        %parallel_loop3A_135 = vector.shape_cast %parallel_loop3A_134 : vector<16x1xi32> to vector<16xi32>
        %parallel_loop3A_136 = tpu.dynamic_gather %parallel_loop3A_84[%parallel_loop3A_135] in [0] : vector<16xi32>, vector<16xi32> -> vector<16xi32>
        %parallel_loop3A_137 = arith.addi %parallel_loop3A_136, %iota3A : vector<16xi32>
        %parallel_loop3A_138 = tpu.vector_load_idx %arg5[%parallel_loop3A_137] : memref<512xf32, #tpu.memory_space<vmem>>[vector<16xi32>], vector<16xf32>,
        %parallel_loop3A_139 = arith.constant 4 : i32
        %parallel_loop3A_140 = arith.addi %parallel_loop3A_79, %parallel_loop3A_139 : i32
        %parallel_loop3A_141 = arith.constant 16 : i32
        %parallel_loop3A_142 = arith.muli %parallel_loop3A_140, %parallel_loop3A_141 : i32
        %parallel_loop3A_143 = arith.index_cast %parallel_loop3A_142 : i32 to index
        %parallel_loop3A_144 = tpu.vector_load %arg8[%parallel_loop3A_143] {strides = array<i32>} : memref<32000xf32, #tpu.memory_space<vmem>>, vector<16xf32>,
        tpu.vector_store %arg8[%parallel_loop3A_143], %parallel_loop3A_138 {strides = array<i32>} : memref<32000xf32, #tpu.memory_space<vmem>>, vector<16xf32>,
        %parallel_loop3A_145 = arith.constant 5 : i32
        %parallel_loop3A_146 = vector.broadcast %parallel_loop3A_145 : i32 to vector<16x1xi32>
        %parallel_loop3A_147 = vector.shape_cast %parallel_loop3A_146 : vector<16x1xi32> to vector<16xi32>
        %parallel_loop3A_148 = tpu.dynamic_gather %parallel_loop3A_84[%parallel_loop3A_147] in [0] : vector<16xi32>, vector<16xi32> -> vector<16xi32>
        %parallel_loop3A_149 = arith.addi %parallel_loop3A_148, %iota3A : vector<16xi32>
        %parallel_loop3A_150 = tpu.vector_load_idx %arg5[%parallel_loop3A_149] : memref<512xf32, #tpu.memory_space<vmem>>[vector<16xi32>], vector<16xf32>,
        %parallel_loop3A_151 = arith.constant 5 : i32
        %parallel_loop3A_152 = arith.addi %parallel_loop3A_79, %parallel_loop3A_151 : i32
        %parallel_loop3A_153 = arith.constant 16 : i32
        %parallel_loop3A_154 = arith.muli %parallel_loop3A_152, %parallel_loop3A_153 : i32
        %parallel_loop3A_155 = arith.index_cast %parallel_loop3A_154 : i32 to index
        %parallel_loop3A_156 = tpu.vector_load %arg8[%parallel_loop3A_155] {strides = array<i32>} : memref<32000xf32, #tpu.memory_space<vmem>>, vector<16xf32>,
        tpu.vector_store %arg8[%parallel_loop3A_155], %parallel_loop3A_150 {strides = array<i32>} : memref<32000xf32, #tpu.memory_space<vmem>>, vector<16xf32>,
        %parallel_loop3A_157 = arith.constant 6 : i32
        %parallel_loop3A_158 = vector.broadcast %parallel_loop3A_157 : i32 to vector<16x1xi32>
        %parallel_loop3A_159 = vector.shape_cast %parallel_loop3A_158 : vector<16x1xi32> to vector<16xi32>
        %parallel_loop3A_160 = tpu.dynamic_gather %parallel_loop3A_84[%parallel_loop3A_159] in [0] : vector<16xi32>, vector<16xi32> -> vector<16xi32>
        %parallel_loop3A_161 = arith.addi %parallel_loop3A_160, %iota3A : vector<16xi32>
        %parallel_loop3A_162 = tpu.vector_load_idx %arg5[%parallel_loop3A_161] : memref<512xf32, #tpu.memory_space<vmem>>[vector<16xi32>], vector<16xf32>,
        %parallel_loop3A_163 = arith.constant 6 : i32
        %parallel_loop3A_164 = arith.addi %parallel_loop3A_79, %parallel_loop3A_163 : i32
        %parallel_loop3A_165 = arith.constant 16 : i32
        %parallel_loop3A_166 = arith.muli %parallel_loop3A_164, %parallel_loop3A_165 : i32
        %parallel_loop3A_167 = arith.index_cast %parallel_loop3A_166 : i32 to index
        %parallel_loop3A_168 = tpu.vector_load %arg8[%parallel_loop3A_167] {strides = array<i32>} : memref<32000xf32, #tpu.memory_space<vmem>>, vector<16xf32>,
        tpu.vector_store %arg8[%parallel_loop3A_167], %parallel_loop3A_162 {strides = array<i32>} : memref<32000xf32, #tpu.memory_space<vmem>>, vector<16xf32>,
        %parallel_loop3A_169 = arith.constant 7 : i32
        %parallel_loop3A_170 = vector.broadcast %parallel_loop3A_169 : i32 to vector<16x1xi32>
        %parallel_loop3A_171 = vector.shape_cast %parallel_loop3A_170 : vector<16x1xi32> to vector<16xi32>
        %parallel_loop3A_172 = tpu.dynamic_gather %parallel_loop3A_84[%parallel_loop3A_171] in [0] : vector<16xi32>, vector<16xi32> -> vector<16xi32>
        %parallel_loop3A_173 = arith.addi %parallel_loop3A_172, %iota3A : vector<16xi32>
        %parallel_loop3A_174 = tpu.vector_load_idx %arg5[%parallel_loop3A_173] : memref<512xf32, #tpu.memory_space<vmem>>[vector<16xi32>], vector<16xf32>,
        %parallel_loop3A_175 = arith.constant 7 : i32
        %parallel_loop3A_176 = arith.addi %parallel_loop3A_79, %parallel_loop3A_175 : i32
        %parallel_loop3A_177 = arith.constant 16 : i32
        %parallel_loop3A_178 = arith.muli %parallel_loop3A_176, %parallel_loop3A_177 : i32
        %parallel_loop3A_179 = arith.index_cast %parallel_loop3A_178 : i32 to index
        %parallel_loop3A_180 = tpu.vector_load %arg8[%parallel_loop3A_179] {strides = array<i32>} : memref<32000xf32, #tpu.memory_space<vmem>>, vector<16xf32>,
        tpu.vector_store %arg8[%parallel_loop3A_179], %parallel_loop3A_174 {strides = array<i32>} : memref<32000xf32, #tpu.memory_space<vmem>>, vector<16xf32>,
        %parallel_loop3A_181 = arith.constant 8 : i32
        %parallel_loop3A_182 = vector.broadcast %parallel_loop3A_181 : i32 to vector<16x1xi32>
        %parallel_loop3A_183 = vector.shape_cast %parallel_loop3A_182 : vector<16x1xi32> to vector<16xi32>
        %parallel_loop3A_184 = tpu.dynamic_gather %parallel_loop3A_84[%parallel_loop3A_183] in [0] : vector<16xi32>, vector<16xi32> -> vector<16xi32>
        %parallel_loop3A_185 = arith.addi %parallel_loop3A_184, %iota3A : vector<16xi32>
        %parallel_loop3A_186 = tpu.vector_load_idx %arg5[%parallel_loop3A_185] : memref<512xf32, #tpu.memory_space<vmem>>[vector<16xi32>], vector<16xf32>,
        %parallel_loop3A_187 = arith.constant 8 : i32
        %parallel_loop3A_188 = arith.addi %parallel_loop3A_79, %parallel_loop3A_187 : i32
        %parallel_loop3A_189 = arith.constant 16 : i32
        %parallel_loop3A_190 = arith.muli %parallel_loop3A_188, %parallel_loop3A_189 : i32
        %parallel_loop3A_191 = arith.index_cast %parallel_loop3A_190 : i32 to index
        %parallel_loop3A_192 = tpu.vector_load %arg8[%parallel_loop3A_191] {strides = array<i32>} : memref<32000xf32, #tpu.memory_space<vmem>>, vector<16xf32>,
        tpu.vector_store %arg8[%parallel_loop3A_191], %parallel_loop3A_186 {strides = array<i32>} : memref<32000xf32, #tpu.memory_space<vmem>>, vector<16xf32>,
        %parallel_loop3A_193 = arith.constant 9 : i32
        %parallel_loop3A_194 = vector.broadcast %parallel_loop3A_193 : i32 to vector<16x1xi32>
        %parallel_loop3A_195 = vector.shape_cast %parallel_loop3A_194 : vector<16x1xi32> to vector<16xi32>
        %parallel_loop3A_196 = tpu.dynamic_gather %parallel_loop3A_84[%parallel_loop3A_195] in [0] : vector<16xi32>, vector<16xi32> -> vector<16xi32>
        %parallel_loop3A_197 = arith.addi %parallel_loop3A_196, %iota3A : vector<16xi32>
        %parallel_loop3A_198 = tpu.vector_load_idx %arg5[%parallel_loop3A_197] : memref<512xf32, #tpu.memory_space<vmem>>[vector<16xi32>], vector<16xf32>,
        %parallel_loop3A_199 = arith.constant 9 : i32
        %parallel_loop3A_200 = arith.addi %parallel_loop3A_79, %parallel_loop3A_199 : i32
        %parallel_loop3A_201 = arith.constant 16 : i32
        %parallel_loop3A_202 = arith.muli %parallel_loop3A_200, %parallel_loop3A_201 : i32
        %parallel_loop3A_203 = arith.index_cast %parallel_loop3A_202 : i32 to index
        %parallel_loop3A_204 = tpu.vector_load %arg8[%parallel_loop3A_203] {strides = array<i32>} : memref<32000xf32, #tpu.memory_space<vmem>>, vector<16xf32>,
        tpu.vector_store %arg8[%parallel_loop3A_203], %parallel_loop3A_198 {strides = array<i32>} : memref<32000xf32, #tpu.memory_space<vmem>>, vector<16xf32>,
        %parallel_loop3A_205 = arith.constant 10 : i32
        %parallel_loop3A_206 = vector.broadcast %parallel_loop3A_205 : i32 to vector<16x1xi32>
        %parallel_loop3A_207 = vector.shape_cast %parallel_loop3A_206 : vector<16x1xi32> to vector<16xi32>
        %parallel_loop3A_208 = tpu.dynamic_gather %parallel_loop3A_84[%parallel_loop3A_207] in [0] : vector<16xi32>, vector<16xi32> -> vector<16xi32>
        %parallel_loop3A_209 = arith.addi %parallel_loop3A_208, %iota3A : vector<16xi32>
        %parallel_loop3A_210 = tpu.vector_load_idx %arg5[%parallel_loop3A_209] : memref<512xf32, #tpu.memory_space<vmem>>[vector<16xi32>], vector<16xf32>,
        %parallel_loop3A_211 = arith.constant 10 : i32
        %parallel_loop3A_212 = arith.addi %parallel_loop3A_79, %parallel_loop3A_211 : i32
        %parallel_loop3A_213 = arith.constant 16 : i32
        %parallel_loop3A_214 = arith.muli %parallel_loop3A_212, %parallel_loop3A_213 : i32
        %parallel_loop3A_215 = arith.index_cast %parallel_loop3A_214 : i32 to index
        %parallel_loop3A_216 = tpu.vector_load %arg8[%parallel_loop3A_215] {strides = array<i32>} : memref<32000xf32, #tpu.memory_space<vmem>>, vector<16xf32>,
        tpu.vector_store %arg8[%parallel_loop3A_215], %parallel_loop3A_210 {strides = array<i32>} : memref<32000xf32, #tpu.memory_space<vmem>>, vector<16xf32>,
        %parallel_loop3A_217 = arith.constant 11 : i32
        %parallel_loop3A_218 = vector.broadcast %parallel_loop3A_217 : i32 to vector<16x1xi32>
        %parallel_loop3A_219 = vector.shape_cast %parallel_loop3A_218 : vector<16x1xi32> to vector<16xi32>
        %parallel_loop3A_220 = tpu.dynamic_gather %parallel_loop3A_84[%parallel_loop3A_219] in [0] : vector<16xi32>, vector<16xi32> -> vector<16xi32>
        %parallel_loop3A_221 = arith.addi %parallel_loop3A_220, %iota3A : vector<16xi32>
        %parallel_loop3A_222 = tpu.vector_load_idx %arg5[%parallel_loop3A_221] : memref<512xf32, #tpu.memory_space<vmem>>[vector<16xi32>], vector<16xf32>,
        %parallel_loop3A_223 = arith.constant 11 : i32
        %parallel_loop3A_224 = arith.addi %parallel_loop3A_79, %parallel_loop3A_223 : i32
        %parallel_loop3A_225 = arith.constant 16 : i32
        %parallel_loop3A_226 = arith.muli %parallel_loop3A_224, %parallel_loop3A_225 : i32
        %parallel_loop3A_227 = arith.index_cast %parallel_loop3A_226 : i32 to index
        %parallel_loop3A_228 = tpu.vector_load %arg8[%parallel_loop3A_227] {strides = array<i32>} : memref<32000xf32, #tpu.memory_space<vmem>>, vector<16xf32>,
        tpu.vector_store %arg8[%parallel_loop3A_227], %parallel_loop3A_222 {strides = array<i32>} : memref<32000xf32, #tpu.memory_space<vmem>>, vector<16xf32>,
        %parallel_loop3A_229 = arith.constant 12 : i32
        %parallel_loop3A_230 = vector.broadcast %parallel_loop3A_229 : i32 to vector<16x1xi32>
        %parallel_loop3A_231 = vector.shape_cast %parallel_loop3A_230 : vector<16x1xi32> to vector<16xi32>
        %parallel_loop3A_232 = tpu.dynamic_gather %parallel_loop3A_84[%parallel_loop3A_231] in [0] : vector<16xi32>, vector<16xi32> -> vector<16xi32>
        %parallel_loop3A_233 = arith.addi %parallel_loop3A_232, %iota3A : vector<16xi32>
        %parallel_loop3A_234 = tpu.vector_load_idx %arg5[%parallel_loop3A_233] : memref<512xf32, #tpu.memory_space<vmem>>[vector<16xi32>], vector<16xf32>,
        %parallel_loop3A_235 = arith.constant 12 : i32
        %parallel_loop3A_236 = arith.addi %parallel_loop3A_79, %parallel_loop3A_235 : i32
        %parallel_loop3A_237 = arith.constant 16 : i32
        %parallel_loop3A_238 = arith.muli %parallel_loop3A_236, %parallel_loop3A_237 : i32
        %parallel_loop3A_239 = arith.index_cast %parallel_loop3A_238 : i32 to index
        %parallel_loop3A_240 = tpu.vector_load %arg8[%parallel_loop3A_239] {strides = array<i32>} : memref<32000xf32, #tpu.memory_space<vmem>>, vector<16xf32>,
        tpu.vector_store %arg8[%parallel_loop3A_239], %parallel_loop3A_234 {strides = array<i32>} : memref<32000xf32, #tpu.memory_space<vmem>>, vector<16xf32>,
        %parallel_loop3A_241 = arith.constant 13 : i32
        %parallel_loop3A_242 = vector.broadcast %parallel_loop3A_241 : i32 to vector<16x1xi32>
        %parallel_loop3A_243 = vector.shape_cast %parallel_loop3A_242 : vector<16x1xi32> to vector<16xi32>
        %parallel_loop3A_244 = tpu.dynamic_gather %parallel_loop3A_84[%parallel_loop3A_243] in [0] : vector<16xi32>, vector<16xi32> -> vector<16xi32>
        %parallel_loop3A_245 = arith.addi %parallel_loop3A_244, %iota3A : vector<16xi32>
        %parallel_loop3A_246 = tpu.vector_load_idx %arg5[%parallel_loop3A_245] : memref<512xf32, #tpu.memory_space<vmem>>[vector<16xi32>], vector<16xf32>,
        %parallel_loop3A_247 = arith.constant 13 : i32
        %parallel_loop3A_248 = arith.addi %parallel_loop3A_79, %parallel_loop3A_247 : i32
        %parallel_loop3A_249 = arith.constant 16 : i32
        %parallel_loop3A_250 = arith.muli %parallel_loop3A_248, %parallel_loop3A_249 : i32
        %parallel_loop3A_251 = arith.index_cast %parallel_loop3A_250 : i32 to index
        %parallel_loop3A_252 = tpu.vector_load %arg8[%parallel_loop3A_251] {strides = array<i32>} : memref<32000xf32, #tpu.memory_space<vmem>>, vector<16xf32>,
        tpu.vector_store %arg8[%parallel_loop3A_251], %parallel_loop3A_246 {strides = array<i32>} : memref<32000xf32, #tpu.memory_space<vmem>>, vector<16xf32>,
        %parallel_loop3A_253 = arith.constant 14 : i32
        %parallel_loop3A_254 = vector.broadcast %parallel_loop3A_253 : i32 to vector<16x1xi32>
        %parallel_loop3A_255 = vector.shape_cast %parallel_loop3A_254 : vector<16x1xi32> to vector<16xi32>
        %parallel_loop3A_256 = tpu.dynamic_gather %parallel_loop3A_84[%parallel_loop3A_255] in [0] : vector<16xi32>, vector<16xi32> -> vector<16xi32>
        %parallel_loop3A_257 = arith.addi %parallel_loop3A_256, %iota3A : vector<16xi32>
        %parallel_loop3A_258 = tpu.vector_load_idx %arg5[%parallel_loop3A_257] : memref<512xf32, #tpu.memory_space<vmem>>[vector<16xi32>], vector<16xf32>,
        %parallel_loop3A_259 = arith.constant 14 : i32
        %parallel_loop3A_260 = arith.addi %parallel_loop3A_79, %parallel_loop3A_259 : i32
        %parallel_loop3A_261 = arith.constant 16 : i32
        %parallel_loop3A_262 = arith.muli %parallel_loop3A_260, %parallel_loop3A_261 : i32
        %parallel_loop3A_263 = arith.index_cast %parallel_loop3A_262 : i32 to index
        %parallel_loop3A_264 = tpu.vector_load %arg8[%parallel_loop3A_263] {strides = array<i32>} : memref<32000xf32, #tpu.memory_space<vmem>>, vector<16xf32>,
        tpu.vector_store %arg8[%parallel_loop3A_263], %parallel_loop3A_258 {strides = array<i32>} : memref<32000xf32, #tpu.memory_space<vmem>>, vector<16xf32>,
        %parallel_loop3A_265 = arith.constant 15 : i32
        %parallel_loop3A_266 = vector.broadcast %parallel_loop3A_265 : i32 to vector<16x1xi32>
        %parallel_loop3A_267 = vector.shape_cast %parallel_loop3A_266 : vector<16x1xi32> to vector<16xi32>
        %parallel_loop3A_268 = tpu.dynamic_gather %parallel_loop3A_84[%parallel_loop3A_267] in [0] : vector<16xi32>, vector<16xi32> -> vector<16xi32>
        %parallel_loop3A_269 = arith.addi %parallel_loop3A_268, %iota3A : vector<16xi32>
        %parallel_loop3A_270 = tpu.vector_load_idx %arg5[%parallel_loop3A_269] : memref<512xf32, #tpu.memory_space<vmem>>[vector<16xi32>], vector<16xf32>,
        %parallel_loop3A_271 = arith.constant 15 : i32
        %parallel_loop3A_272 = arith.addi %parallel_loop3A_79, %parallel_loop3A_271 : i32
        %parallel_loop3A_273 = arith.constant 16 : i32
        %parallel_loop3A_274 = arith.muli %parallel_loop3A_272, %parallel_loop3A_273 : i32
        %parallel_loop3A_275 = arith.index_cast %parallel_loop3A_274 : i32 to index
        %parallel_loop3A_276 = tpu.vector_load %arg8[%parallel_loop3A_275] {strides = array<i32>} : memref<32000xf32, #tpu.memory_space<vmem>>, vector<16xf32>,
        tpu.vector_store %arg8[%parallel_loop3A_275], %parallel_loop3A_270 {strides = array<i32>} : memref<32000xf32, #tpu.memory_space<vmem>>, vector<16xf32>,
      } {sc.loop_unroll_factor = 2 : i64, sc.parallel_access}
      %lt3A = arith.constant 24 : i32
      %lt3A_40 = arith.cmpi slt, %scan3A_26, %lt3A : i32
      %convert_element_type3A_41 = arith.extui %lt3A_40 : i1 to i32
      %cond3A_42 = arith.constant 0 : i32
      %cond3A_43 = arith.cmpi ne, %convert_element_type3A_41, %cond3A_42 : i32
      scf.if %cond3A_43 {
        %add3A_76 = arith.constant 2 : i32
        %add3A_77 = arith.addi %mul3A_28, %add3A_76 : i32
        %mul3A_78 = arith.constant 2000 : i32
        %mul3A_79 = arith.muli %add3A_77, %mul3A_78 : i32
        %add3A_80 = arith.addi %mul3A_2, %mul3A_79 : i32
        %dma_start3A_81 = tpu.memref_slice %arg2[%add3A_80] : memref<3200000xi32, #tpu.memory_space<hbm>> -> memref<2000xi32, #tpu.memory_space<hbm>>
        %dma_start3A_82 = tpu.memref_slice %arg2[%add3A_80] : memref<3200000xi32, #tpu.memory_space<hbm>> -> memref<2000xi32, #tpu.memory_space<hbm>>
        tpu.enqueue_dma source(%dma_start3A_82 : memref<2000xi32, #tpu.memory_space<hbm>>) target(%arg6 : memref<2000xi32, #tpu.memory_space<vmem>>) target_semaphore(%arg10 : memref<!tpu.dma_semaphore, #tpu.memory_space<semaphore_mem>>)
      } else {
      }
      %mul3A_44 = arith.constant 2000 : i32
      %mul3A_45 = arith.muli %mul3A_28, %mul3A_44 : i32
      %add3A_46 = arith.addi %mul3A_2, %mul3A_45 : i32
      %mul3A_47 = arith.constant 16 : i32
      %mul3A_48 = arith.muli %add3A_46, %mul3A_47 : i32
      %dma_start3A_49 = tpu.memref_slice %arg4[%mul3A_48] : memref<51200000xf32, #tpu.memory_space<hbm>> -> memref<32000xf32, #tpu.memory_space<hbm>>
      %dma_start3A_50 = tpu.memref_slice %arg4[%mul3A_48] : memref<51200000xf32, #tpu.memory_space<hbm>> -> memref<32000xf32, #tpu.memory_space<hbm>>
      tpu.enqueue_dma source(%arg8 : memref<32000xf32, #tpu.memory_space<vmem>>) target(%dma_start3A_50 : memref<32000xf32, #tpu.memory_space<hbm>>) target_semaphore(%arg12 : memref<!tpu.dma_semaphore, #tpu.memory_space<semaphore_mem>>)
      %mul3A_51 = arith.constant 2000 : i32
      %mul3A_52 = arith.muli %add3A_30, %mul3A_51 : i32
      %add3A_53 = arith.addi %mul3A_2, %mul3A_52 : i32
      %dma_wait3A_54 = tpu.memref_slice %arg2[%add3A_53] : memref<3200000xi32, #tpu.memory_space<hbm>> -> memref<2000xi32, #tpu.memory_space<hbm>>
      %dma_wait3A_55 = tpu.memref_slice %arg2[%add3A_53] : memref<3200000xi32, #tpu.memory_space<hbm>> -> memref<2000xi32, #tpu.memory_space<hbm>>
      tpu.wait_dma2 semaphore(%arg11 : memref<!tpu.dma_semaphore, #tpu.memory_space<semaphore_mem>>) src(%dma_wait3A_55 : memref<2000xi32, #tpu.memory_space<hbm>>) dst(%arg7 : memref<2000xi32, #tpu.memory_space<vmem>>)
      %gt3A_56 = arith.constant 0 : i32
      %gt3A_57 = arith.cmpi sgt, %scan3A_26, %gt3A_56 : i32
      %convert_element_type3A_58 = arith.extui %gt3A_57 : i1 to i32
      %cond3A_59 = arith.constant 0 : i32
      %cond3A_60 = arith.cmpi ne, %convert_element_type3A_58, %cond3A_59 : i32
      scf.if %cond3A_60 {
        %mul3A_76 = arith.constant 2000 : i32
        %mul3A_77 = arith.muli %add3A_30, %mul3A_76 : i32
        %add3A_78 = arith.addi %mul3A_2, %mul3A_77 : i32
        %mul3A_79 = arith.constant 16 : i32
        %mul3A_80 = arith.muli %add3A_78, %mul3A_79 : i32
        %dma_wait3A_81 = tpu.memref_slice %arg4[%mul3A_80] : memref<51200000xf32, #tpu.memory_space<hbm>> -> memref<32000xf32, #tpu.memory_space<hbm>>
        %dma_wait3A_82 = tpu.memref_slice %arg4[%mul3A_80] : memref<51200000xf32, #tpu.memory_space<hbm>> -> memref<32000xf32, #tpu.memory_space<hbm>>
        tpu.wait_dma2 semaphore(%arg13 : memref<!tpu.dma_semaphore, #tpu.memory_space<semaphore_mem>>) src(%arg9 : memref<32000xf32, #tpu.memory_space<vmem>>) dst(%dma_wait3A_82 : memref<32000xf32, #tpu.memory_space<hbm>>)
      } else {
      }
      %parallel_loop3A_61 = arith.constant 0 : i32
      %parallel_loop3A_62 = arith.constant 125 : i32
      %parallel_loop3A_63 = arith.constant 1 : i32
      scf.for %parallel_loop3A_76 = %parallel_loop3A_61 to %parallel_loop3A_62 step %parallel_loop3A_63  : i32 {
        %parallel_loop3A_77 = arith.constant 16 : i32
        %parallel_loop3A_78 = arith.muli %parallel_loop3A_76, %parallel_loop3A_77 : i32
        %parallel_loop3A_79 = tpu.assume_multiple %parallel_loop3A_78, 16 : i32
        %parallel_loop3A_80 = arith.index_cast %parallel_loop3A_79 : i32 to index
        %parallel_loop3A_81 = tpu.vector_load %arg7[%parallel_loop3A_80] {strides = array<i32>} : memref<2000xi32, #tpu.memory_space<vmem>>, vector<16xi32>,
        %parallel_loop3A_82 = arith.constant 16 : i32
        %parallel_loop3A_83 = vector.broadcast %parallel_loop3A_82 : i32 to vector<16xi32>
        %parallel_loop3A_84 = arith.muli %parallel_loop3A_81, %parallel_loop3A_83 : vector<16xi32>
        %parallel_loop3A_85 = arith.constant 0 : i32
        %parallel_loop3A_86 = vector.broadcast %parallel_loop3A_85 : i32 to vector<16x1xi32>
        %parallel_loop3A_87 = vector.shape_cast %parallel_loop3A_86 : vector<16x1xi32> to vector<16xi32>
        %parallel_loop3A_88 = tpu.dynamic_gather %parallel_loop3A_84[%parallel_loop3A_87] in [0] : vector<16xi32>, vector<16xi32> -> vector<16xi32>
        %parallel_loop3A_89 = arith.addi %parallel_loop3A_88, %iota3A : vector<16xi32>
        %parallel_loop3A_90 = tpu.vector_load_idx %arg5[%parallel_loop3A_89] : memref<512xf32, #tpu.memory_space<vmem>>[vector<16xi32>], vector<16xf32>,
        %parallel_loop3A_91 = arith.constant 0 : i32
        %parallel_loop3A_92 = arith.addi %parallel_loop3A_79, %parallel_loop3A_91 : i32
        %parallel_loop3A_93 = arith.constant 16 : i32
        %parallel_loop3A_94 = arith.muli %parallel_loop3A_92, %parallel_loop3A_93 : i32
        %parallel_loop3A_95 = arith.index_cast %parallel_loop3A_94 : i32 to index
        %parallel_loop3A_96 = tpu.vector_load %arg9[%parallel_loop3A_95] {strides = array<i32>} : memref<32000xf32, #tpu.memory_space<vmem>>, vector<16xf32>,
        tpu.vector_store %arg9[%parallel_loop3A_95], %parallel_loop3A_90 {strides = array<i32>} : memref<32000xf32, #tpu.memory_space<vmem>>, vector<16xf32>,
        %parallel_loop3A_97 = arith.constant 1 : i32
        %parallel_loop3A_98 = vector.broadcast %parallel_loop3A_97 : i32 to vector<16x1xi32>
        %parallel_loop3A_99 = vector.shape_cast %parallel_loop3A_98 : vector<16x1xi32> to vector<16xi32>
        %parallel_loop3A_100 = tpu.dynamic_gather %parallel_loop3A_84[%parallel_loop3A_99] in [0] : vector<16xi32>, vector<16xi32> -> vector<16xi32>
        %parallel_loop3A_101 = arith.addi %parallel_loop3A_100, %iota3A : vector<16xi32>
        %parallel_loop3A_102 = tpu.vector_load_idx %arg5[%parallel_loop3A_101] : memref<512xf32, #tpu.memory_space<vmem>>[vector<16xi32>], vector<16xf32>,
        %parallel_loop3A_103 = arith.constant 1 : i32
        %parallel_loop3A_104 = arith.addi %parallel_loop3A_79, %parallel_loop3A_103 : i32
        %parallel_loop3A_105 = arith.constant 16 : i32
        %parallel_loop3A_106 = arith.muli %parallel_loop3A_104, %parallel_loop3A_105 : i32
        %parallel_loop3A_107 = arith.index_cast %parallel_loop3A_106 : i32 to index
        %parallel_loop3A_108 = tpu.vector_load %arg9[%parallel_loop3A_107] {strides = array<i32>} : memref<32000xf32, #tpu.memory_space<vmem>>, vector<16xf32>,
        tpu.vector_store %arg9[%parallel_loop3A_107], %parallel_loop3A_102 {strides = array<i32>} : memref<32000xf32, #tpu.memory_space<vmem>>, vector<16xf32>,
        %parallel_loop3A_109 = arith.constant 2 : i32
        %parallel_loop3A_110 = vector.broadcast %parallel_loop3A_109 : i32 to vector<16x1xi32>
        %parallel_loop3A_111 = vector.shape_cast %parallel_loop3A_110 : vector<16x1xi32> to vector<16xi32>
        %parallel_loop3A_112 = tpu.dynamic_gather %parallel_loop3A_84[%parallel_loop3A_111] in [0] : vector<16xi32>, vector<16xi32> -> vector<16xi32>
        %parallel_loop3A_113 = arith.addi %parallel_loop3A_112, %iota3A : vector<16xi32>
        %parallel_loop3A_114 = tpu.vector_load_idx %arg5[%parallel_loop3A_113] : memref<512xf32, #tpu.memory_space<vmem>>[vector<16xi32>], vector<16xf32>,
        %parallel_loop3A_115 = arith.constant 2 : i32
        %parallel_loop3A_116 = arith.addi %parallel_loop3A_79, %parallel_loop3A_115 : i32
        %parallel_loop3A_117 = arith.constant 16 : i32
        %parallel_loop3A_118 = arith.muli %parallel_loop3A_116, %parallel_loop3A_117 : i32
        %parallel_loop3A_119 = arith.index_cast %parallel_loop3A_118 : i32 to index
        %parallel_loop3A_120 = tpu.vector_load %arg9[%parallel_loop3A_119] {strides = array<i32>} : memref<32000xf32, #tpu.memory_space<vmem>>, vector<16xf32>,
        tpu.vector_store %arg9[%parallel_loop3A_119], %parallel_loop3A_114 {strides = array<i32>} : memref<32000xf32, #tpu.memory_space<vmem>>, vector<16xf32>,
        %parallel_loop3A_121 = arith.constant 3 : i32
        %parallel_loop3A_122 = vector.broadcast %parallel_loop3A_121 : i32 to vector<16x1xi32>
        %parallel_loop3A_123 = vector.shape_cast %parallel_loop3A_122 : vector<16x1xi32> to vector<16xi32>
        %parallel_loop3A_124 = tpu.dynamic_gather %parallel_loop3A_84[%parallel_loop3A_123] in [0] : vector<16xi32>, vector<16xi32> -> vector<16xi32>
        %parallel_loop3A_125 = arith.addi %parallel_loop3A_124, %iota3A : vector<16xi32>
        %parallel_loop3A_126 = tpu.vector_load_idx %arg5[%parallel_loop3A_125] : memref<512xf32, #tpu.memory_space<vmem>>[vector<16xi32>], vector<16xf32>,
        %parallel_loop3A_127 = arith.constant 3 : i32
        %parallel_loop3A_128 = arith.addi %parallel_loop3A_79, %parallel_loop3A_127 : i32
        %parallel_loop3A_129 = arith.constant 16 : i32
        %parallel_loop3A_130 = arith.muli %parallel_loop3A_128, %parallel_loop3A_129 : i32
        %parallel_loop3A_131 = arith.index_cast %parallel_loop3A_130 : i32 to index
        %parallel_loop3A_132 = tpu.vector_load %arg9[%parallel_loop3A_131] {strides = array<i32>} : memref<32000xf32, #tpu.memory_space<vmem>>, vector<16xf32>,
        tpu.vector_store %arg9[%parallel_loop3A_131], %parallel_loop3A_126 {strides = array<i32>} : memref<32000xf32, #tpu.memory_space<vmem>>, vector<16xf32>,
        %parallel_loop3A_133 = arith.constant 4 : i32
        %parallel_loop3A_134 = vector.broadcast %parallel_loop3A_133 : i32 to vector<16x1xi32>
        %parallel_loop3A_135 = vector.shape_cast %parallel_loop3A_134 : vector<16x1xi32> to vector<16xi32>
        %parallel_loop3A_136 = tpu.dynamic_gather %parallel_loop3A_84[%parallel_loop3A_135] in [0] : vector<16xi32>, vector<16xi32> -> vector<16xi32>
        %parallel_loop3A_137 = arith.addi %parallel_loop3A_136, %iota3A : vector<16xi32>
        %parallel_loop3A_138 = tpu.vector_load_idx %arg5[%parallel_loop3A_137] : memref<512xf32, #tpu.memory_space<vmem>>[vector<16xi32>], vector<16xf32>,
        %parallel_loop3A_139 = arith.constant 4 : i32
        %parallel_loop3A_140 = arith.addi %parallel_loop3A_79, %parallel_loop3A_139 : i32
        %parallel_loop3A_141 = arith.constant 16 : i32
        %parallel_loop3A_142 = arith.muli %parallel_loop3A_140, %parallel_loop3A_141 : i32
        %parallel_loop3A_143 = arith.index_cast %parallel_loop3A_142 : i32 to index
        %parallel_loop3A_144 = tpu.vector_load %arg9[%parallel_loop3A_143] {strides = array<i32>} : memref<32000xf32, #tpu.memory_space<vmem>>, vector<16xf32>,
        tpu.vector_store %arg9[%parallel_loop3A_143], %parallel_loop3A_138 {strides = array<i32>} : memref<32000xf32, #tpu.memory_space<vmem>>, vector<16xf32>,
        %parallel_loop3A_145 = arith.constant 5 : i32
        %parallel_loop3A_146 = vector.broadcast %parallel_loop3A_145 : i32 to vector<16x1xi32>
        %parallel_loop3A_147 = vector.shape_cast %parallel_loop3A_146 : vector<16x1xi32> to vector<16xi32>
        %parallel_loop3A_148 = tpu.dynamic_gather %parallel_loop3A_84[%parallel_loop3A_147] in [0] : vector<16xi32>, vector<16xi32> -> vector<16xi32>
        %parallel_loop3A_149 = arith.addi %parallel_loop3A_148, %iota3A : vector<16xi32>
        %parallel_loop3A_150 = tpu.vector_load_idx %arg5[%parallel_loop3A_149] : memref<512xf32, #tpu.memory_space<vmem>>[vector<16xi32>], vector<16xf32>,
        %parallel_loop3A_151 = arith.constant 5 : i32
        %parallel_loop3A_152 = arith.addi %parallel_loop3A_79, %parallel_loop3A_151 : i32
        %parallel_loop3A_153 = arith.constant 16 : i32
        %parallel_loop3A_154 = arith.muli %parallel_loop3A_152, %parallel_loop3A_153 : i32
        %parallel_loop3A_155 = arith.index_cast %parallel_loop3A_154 : i32 to index
        %parallel_loop3A_156 = tpu.vector_load %arg9[%parallel_loop3A_155] {strides = array<i32>} : memref<32000xf32, #tpu.memory_space<vmem>>, vector<16xf32>,
        tpu.vector_store %arg9[%parallel_loop3A_155], %parallel_loop3A_150 {strides = array<i32>} : memref<32000xf32, #tpu.memory_space<vmem>>, vector<16xf32>,
        %parallel_loop3A_157 = arith.constant 6 : i32
        %parallel_loop3A_158 = vector.broadcast %parallel_loop3A_157 : i32 to vector<16x1xi32>
        %parallel_loop3A_159 = vector.shape_cast %parallel_loop3A_158 : vector<16x1xi32> to vector<16xi32>
        %parallel_loop3A_160 = tpu.dynamic_gather %parallel_loop3A_84[%parallel_loop3A_159] in [0] : vector<16xi32>, vector<16xi32> -> vector<16xi32>
        %parallel_loop3A_161 = arith.addi %parallel_loop3A_160, %iota3A : vector<16xi32>
        %parallel_loop3A_162 = tpu.vector_load_idx %arg5[%parallel_loop3A_161] : memref<512xf32, #tpu.memory_space<vmem>>[vector<16xi32>], vector<16xf32>,
        %parallel_loop3A_163 = arith.constant 6 : i32
        %parallel_loop3A_164 = arith.addi %parallel_loop3A_79, %parallel_loop3A_163 : i32
        %parallel_loop3A_165 = arith.constant 16 : i32
        %parallel_loop3A_166 = arith.muli %parallel_loop3A_164, %parallel_loop3A_165 : i32
        %parallel_loop3A_167 = arith.index_cast %parallel_loop3A_166 : i32 to index
        %parallel_loop3A_168 = tpu.vector_load %arg9[%parallel_loop3A_167] {strides = array<i32>} : memref<32000xf32, #tpu.memory_space<vmem>>, vector<16xf32>,
        tpu.vector_store %arg9[%parallel_loop3A_167], %parallel_loop3A_162 {strides = array<i32>} : memref<32000xf32, #tpu.memory_space<vmem>>, vector<16xf32>,
        %parallel_loop3A_169 = arith.constant 7 : i32
        %parallel_loop3A_170 = vector.broadcast %parallel_loop3A_169 : i32 to vector<16x1xi32>
        %parallel_loop3A_171 = vector.shape_cast %parallel_loop3A_170 : vector<16x1xi32> to vector<16xi32>
        %parallel_loop3A_172 = tpu.dynamic_gather %parallel_loop3A_84[%parallel_loop3A_171] in [0] : vector<16xi32>, vector<16xi32> -> vector<16xi32>
        %parallel_loop3A_173 = arith.addi %parallel_loop3A_172, %iota3A : vector<16xi32>
        %parallel_loop3A_174 = tpu.vector_load_idx %arg5[%parallel_loop3A_173] : memref<512xf32, #tpu.memory_space<vmem>>[vector<16xi32>], vector<16xf32>,
        %parallel_loop3A_175 = arith.constant 7 : i32
        %parallel_loop3A_176 = arith.addi %parallel_loop3A_79, %parallel_loop3A_175 : i32
        %parallel_loop3A_177 = arith.constant 16 : i32
        %parallel_loop3A_178 = arith.muli %parallel_loop3A_176, %parallel_loop3A_177 : i32
        %parallel_loop3A_179 = arith.index_cast %parallel_loop3A_178 : i32 to index
        %parallel_loop3A_180 = tpu.vector_load %arg9[%parallel_loop3A_179] {strides = array<i32>} : memref<32000xf32, #tpu.memory_space<vmem>>, vector<16xf32>,
        tpu.vector_store %arg9[%parallel_loop3A_179], %parallel_loop3A_174 {strides = array<i32>} : memref<32000xf32, #tpu.memory_space<vmem>>, vector<16xf32>,
        %parallel_loop3A_181 = arith.constant 8 : i32
        %parallel_loop3A_182 = vector.broadcast %parallel_loop3A_181 : i32 to vector<16x1xi32>
        %parallel_loop3A_183 = vector.shape_cast %parallel_loop3A_182 : vector<16x1xi32> to vector<16xi32>
        %parallel_loop3A_184 = tpu.dynamic_gather %parallel_loop3A_84[%parallel_loop3A_183] in [0] : vector<16xi32>, vector<16xi32> -> vector<16xi32>
        %parallel_loop3A_185 = arith.addi %parallel_loop3A_184, %iota3A : vector<16xi32>
        %parallel_loop3A_186 = tpu.vector_load_idx %arg5[%parallel_loop3A_185] : memref<512xf32, #tpu.memory_space<vmem>>[vector<16xi32>], vector<16xf32>,
        %parallel_loop3A_187 = arith.constant 8 : i32
        %parallel_loop3A_188 = arith.addi %parallel_loop3A_79, %parallel_loop3A_187 : i32
        %parallel_loop3A_189 = arith.constant 16 : i32
        %parallel_loop3A_190 = arith.muli %parallel_loop3A_188, %parallel_loop3A_189 : i32
        %parallel_loop3A_191 = arith.index_cast %parallel_loop3A_190 : i32 to index
        %parallel_loop3A_192 = tpu.vector_load %arg9[%parallel_loop3A_191] {strides = array<i32>} : memref<32000xf32, #tpu.memory_space<vmem>>, vector<16xf32>,
        tpu.vector_store %arg9[%parallel_loop3A_191], %parallel_loop3A_186 {strides = array<i32>} : memref<32000xf32, #tpu.memory_space<vmem>>, vector<16xf32>,
        %parallel_loop3A_193 = arith.constant 9 : i32
        %parallel_loop3A_194 = vector.broadcast %parallel_loop3A_193 : i32 to vector<16x1xi32>
        %parallel_loop3A_195 = vector.shape_cast %parallel_loop3A_194 : vector<16x1xi32> to vector<16xi32>
        %parallel_loop3A_196 = tpu.dynamic_gather %parallel_loop3A_84[%parallel_loop3A_195] in [0] : vector<16xi32>, vector<16xi32> -> vector<16xi32>
        %parallel_loop3A_197 = arith.addi %parallel_loop3A_196, %iota3A : vector<16xi32>
        %parallel_loop3A_198 = tpu.vector_load_idx %arg5[%parallel_loop3A_197] : memref<512xf32, #tpu.memory_space<vmem>>[vector<16xi32>], vector<16xf32>,
        %parallel_loop3A_199 = arith.constant 9 : i32
        %parallel_loop3A_200 = arith.addi %parallel_loop3A_79, %parallel_loop3A_199 : i32
        %parallel_loop3A_201 = arith.constant 16 : i32
        %parallel_loop3A_202 = arith.muli %parallel_loop3A_200, %parallel_loop3A_201 : i32
        %parallel_loop3A_203 = arith.index_cast %parallel_loop3A_202 : i32 to index
        %parallel_loop3A_204 = tpu.vector_load %arg9[%parallel_loop3A_203] {strides = array<i32>} : memref<32000xf32, #tpu.memory_space<vmem>>, vector<16xf32>,
        tpu.vector_store %arg9[%parallel_loop3A_203], %parallel_loop3A_198 {strides = array<i32>} : memref<32000xf32, #tpu.memory_space<vmem>>, vector<16xf32>,
        %parallel_loop3A_205 = arith.constant 10 : i32
        %parallel_loop3A_206 = vector.broadcast %parallel_loop3A_205 : i32 to vector<16x1xi32>
        %parallel_loop3A_207 = vector.shape_cast %parallel_loop3A_206 : vector<16x1xi32> to vector<16xi32>
        %parallel_loop3A_208 = tpu.dynamic_gather %parallel_loop3A_84[%parallel_loop3A_207] in [0] : vector<16xi32>, vector<16xi32> -> vector<16xi32>
        %parallel_loop3A_209 = arith.addi %parallel_loop3A_208, %iota3A : vector<16xi32>
        %parallel_loop3A_210 = tpu.vector_load_idx %arg5[%parallel_loop3A_209] : memref<512xf32, #tpu.memory_space<vmem>>[vector<16xi32>], vector<16xf32>,
        %parallel_loop3A_211 = arith.constant 10 : i32
        %parallel_loop3A_212 = arith.addi %parallel_loop3A_79, %parallel_loop3A_211 : i32
        %parallel_loop3A_213 = arith.constant 16 : i32
        %parallel_loop3A_214 = arith.muli %parallel_loop3A_212, %parallel_loop3A_213 : i32
        %parallel_loop3A_215 = arith.index_cast %parallel_loop3A_214 : i32 to index
        %parallel_loop3A_216 = tpu.vector_load %arg9[%parallel_loop3A_215] {strides = array<i32>} : memref<32000xf32, #tpu.memory_space<vmem>>, vector<16xf32>,
        tpu.vector_store %arg9[%parallel_loop3A_215], %parallel_loop3A_210 {strides = array<i32>} : memref<32000xf32, #tpu.memory_space<vmem>>, vector<16xf32>,
        %parallel_loop3A_217 = arith.constant 11 : i32
        %parallel_loop3A_218 = vector.broadcast %parallel_loop3A_217 : i32 to vector<16x1xi32>
        %parallel_loop3A_219 = vector.shape_cast %parallel_loop3A_218 : vector<16x1xi32> to vector<16xi32>
        %parallel_loop3A_220 = tpu.dynamic_gather %parallel_loop3A_84[%parallel_loop3A_219] in [0] : vector<16xi32>, vector<16xi32> -> vector<16xi32>
        %parallel_loop3A_221 = arith.addi %parallel_loop3A_220, %iota3A : vector<16xi32>
        %parallel_loop3A_222 = tpu.vector_load_idx %arg5[%parallel_loop3A_221] : memref<512xf32, #tpu.memory_space<vmem>>[vector<16xi32>], vector<16xf32>,
        %parallel_loop3A_223 = arith.constant 11 : i32
        %parallel_loop3A_224 = arith.addi %parallel_loop3A_79, %parallel_loop3A_223 : i32
        %parallel_loop3A_225 = arith.constant 16 : i32
        %parallel_loop3A_226 = arith.muli %parallel_loop3A_224, %parallel_loop3A_225 : i32
        %parallel_loop3A_227 = arith.index_cast %parallel_loop3A_226 : i32 to index
        %parallel_loop3A_228 = tpu.vector_load %arg9[%parallel_loop3A_227] {strides = array<i32>} : memref<32000xf32, #tpu.memory_space<vmem>>, vector<16xf32>,
        tpu.vector_store %arg9[%parallel_loop3A_227], %parallel_loop3A_222 {strides = array<i32>} : memref<32000xf32, #tpu.memory_space<vmem>>, vector<16xf32>,
        %parallel_loop3A_229 = arith.constant 12 : i32
        %parallel_loop3A_230 = vector.broadcast %parallel_loop3A_229 : i32 to vector<16x1xi32>
        %parallel_loop3A_231 = vector.shape_cast %parallel_loop3A_230 : vector<16x1xi32> to vector<16xi32>
        %parallel_loop3A_232 = tpu.dynamic_gather %parallel_loop3A_84[%parallel_loop3A_231] in [0] : vector<16xi32>, vector<16xi32> -> vector<16xi32>
        %parallel_loop3A_233 = arith.addi %parallel_loop3A_232, %iota3A : vector<16xi32>
        %parallel_loop3A_234 = tpu.vector_load_idx %arg5[%parallel_loop3A_233] : memref<512xf32, #tpu.memory_space<vmem>>[vector<16xi32>], vector<16xf32>,
        %parallel_loop3A_235 = arith.constant 12 : i32
        %parallel_loop3A_236 = arith.addi %parallel_loop3A_79, %parallel_loop3A_235 : i32
        %parallel_loop3A_237 = arith.constant 16 : i32
        %parallel_loop3A_238 = arith.muli %parallel_loop3A_236, %parallel_loop3A_237 : i32
        %parallel_loop3A_239 = arith.index_cast %parallel_loop3A_238 : i32 to index
        %parallel_loop3A_240 = tpu.vector_load %arg9[%parallel_loop3A_239] {strides = array<i32>} : memref<32000xf32, #tpu.memory_space<vmem>>, vector<16xf32>,
        tpu.vector_store %arg9[%parallel_loop3A_239], %parallel_loop3A_234 {strides = array<i32>} : memref<32000xf32, #tpu.memory_space<vmem>>, vector<16xf32>,
        %parallel_loop3A_241 = arith.constant 13 : i32
        %parallel_loop3A_242 = vector.broadcast %parallel_loop3A_241 : i32 to vector<16x1xi32>
        %parallel_loop3A_243 = vector.shape_cast %parallel_loop3A_242 : vector<16x1xi32> to vector<16xi32>
        %parallel_loop3A_244 = tpu.dynamic_gather %parallel_loop3A_84[%parallel_loop3A_243] in [0] : vector<16xi32>, vector<16xi32> -> vector<16xi32>
        %parallel_loop3A_245 = arith.addi %parallel_loop3A_244, %iota3A : vector<16xi32>
        %parallel_loop3A_246 = tpu.vector_load_idx %arg5[%parallel_loop3A_245] : memref<512xf32, #tpu.memory_space<vmem>>[vector<16xi32>], vector<16xf32>,
        %parallel_loop3A_247 = arith.constant 13 : i32
        %parallel_loop3A_248 = arith.addi %parallel_loop3A_79, %parallel_loop3A_247 : i32
        %parallel_loop3A_249 = arith.constant 16 : i32
        %parallel_loop3A_250 = arith.muli %parallel_loop3A_248, %parallel_loop3A_249 : i32
        %parallel_loop3A_251 = arith.index_cast %parallel_loop3A_250 : i32 to index
        %parallel_loop3A_252 = tpu.vector_load %arg9[%parallel_loop3A_251] {strides = array<i32>} : memref<32000xf32, #tpu.memory_space<vmem>>, vector<16xf32>,
        tpu.vector_store %arg9[%parallel_loop3A_251], %parallel_loop3A_246 {strides = array<i32>} : memref<32000xf32, #tpu.memory_space<vmem>>, vector<16xf32>,
        %parallel_loop3A_253 = arith.constant 14 : i32
        %parallel_loop3A_254 = vector.broadcast %parallel_loop3A_253 : i32 to vector<16x1xi32>
        %parallel_loop3A_255 = vector.shape_cast %parallel_loop3A_254 : vector<16x1xi32> to vector<16xi32>
        %parallel_loop3A_256 = tpu.dynamic_gather %parallel_loop3A_84[%parallel_loop3A_255] in [0] : vector<16xi32>, vector<16xi32> -> vector<16xi32>
        %parallel_loop3A_257 = arith.addi %parallel_loop3A_256, %iota3A : vector<16xi32>
        %parallel_loop3A_258 = tpu.vector_load_idx %arg5[%parallel_loop3A_257] : memref<512xf32, #tpu.memory_space<vmem>>[vector<16xi32>], vector<16xf32>,
        %parallel_loop3A_259 = arith.constant 14 : i32
        %parallel_loop3A_260 = arith.addi %parallel_loop3A_79, %parallel_loop3A_259 : i32
        %parallel_loop3A_261 = arith.constant 16 : i32
        %parallel_loop3A_262 = arith.muli %parallel_loop3A_260, %parallel_loop3A_261 : i32
        %parallel_loop3A_263 = arith.index_cast %parallel_loop3A_262 : i32 to index
        %parallel_loop3A_264 = tpu.vector_load %arg9[%parallel_loop3A_263] {strides = array<i32>} : memref<32000xf32, #tpu.memory_space<vmem>>, vector<16xf32>,
        tpu.vector_store %arg9[%parallel_loop3A_263], %parallel_loop3A_258 {strides = array<i32>} : memref<32000xf32, #tpu.memory_space<vmem>>, vector<16xf32>,
        %parallel_loop3A_265 = arith.constant 15 : i32
        %parallel_loop3A_266 = vector.broadcast %parallel_loop3A_265 : i32 to vector<16x1xi32>
        %parallel_loop3A_267 = vector.shape_cast %parallel_loop3A_266 : vector<16x1xi32> to vector<16xi32>
        %parallel_loop3A_268 = tpu.dynamic_gather %parallel_loop3A_84[%parallel_loop3A_267] in [0] : vector<16xi32>, vector<16xi32> -> vector<16xi32>
        %parallel_loop3A_269 = arith.addi %parallel_loop3A_268, %iota3A : vector<16xi32>
        %parallel_loop3A_270 = tpu.vector_load_idx %arg5[%parallel_loop3A_269] : memref<512xf32, #tpu.memory_space<vmem>>[vector<16xi32>], vector<16xf32>,
        %parallel_loop3A_271 = arith.constant 15 : i32
        %parallel_loop3A_272 = arith.addi %parallel_loop3A_79, %parallel_loop3A_271 : i32
        %parallel_loop3A_273 = arith.constant 16 : i32
        %parallel_loop3A_274 = arith.muli %parallel_loop3A_272, %parallel_loop3A_273 : i32
        %parallel_loop3A_275 = arith.index_cast %parallel_loop3A_274 : i32 to index
        %parallel_loop3A_276 = tpu.vector_load %arg9[%parallel_loop3A_275] {strides = array<i32>} : memref<32000xf32, #tpu.memory_space<vmem>>, vector<16xf32>,
        tpu.vector_store %arg9[%parallel_loop3A_275], %parallel_loop3A_270 {strides = array<i32>} : memref<32000xf32, #tpu.memory_space<vmem>>, vector<16xf32>,
      } {sc.loop_unroll_factor = 2 : i64, sc.parallel_access}
      %lt3A_64 = arith.constant 24 : i32
      %lt3A_65 = arith.cmpi slt, %scan3A_26, %lt3A_64 : i32
      %convert_element_type3A_66 = arith.extui %lt3A_65 : i1 to i32
      %cond3A_67 = arith.constant 0 : i32
      %cond3A_68 = arith.cmpi ne, %convert_element_type3A_66, %cond3A_67 : i32
      scf.if %cond3A_68 {
        %add3A_76 = arith.constant 2 : i32
        %add3A_77 = arith.addi %add3A_30, %add3A_76 : i32
        %mul3A_78 = arith.constant 2000 : i32
        %mul3A_79 = arith.muli %add3A_77, %mul3A_78 : i32
        %add3A_80 = arith.addi %mul3A_2, %mul3A_79 : i32
        %dma_start3A_81 = tpu.memref_slice %arg2[%add3A_80] : memref<3200000xi32, #tpu.memory_space<hbm>> -> memref<2000xi32, #tpu.memory_space<hbm>>
        %dma_start3A_82 = tpu.memref_slice %arg2[%add3A_80] : memref<3200000xi32, #tpu.memory_space<hbm>> -> memref<2000xi32, #tpu.memory_space<hbm>>
        tpu.enqueue_dma source(%dma_start3A_82 : memref<2000xi32, #tpu.memory_space<hbm>>) target(%arg7 : memref<2000xi32, #tpu.memory_space<vmem>>) target_semaphore(%arg11 : memref<!tpu.dma_semaphore, #tpu.memory_space<semaphore_mem>>)
      } else {
      }
      %mul3A_69 = arith.constant 2000 : i32
      %mul3A_70 = arith.muli %add3A_30, %mul3A_69 : i32
      %add3A_71 = arith.addi %mul3A_2, %mul3A_70 : i32
      %mul3A_72 = arith.constant 16 : i32
      %mul3A_73 = arith.muli %add3A_71, %mul3A_72 : i32
      %dma_start3A_74 = tpu.memref_slice %arg4[%mul3A_73] : memref<51200000xf32, #tpu.memory_space<hbm>> -> memref<32000xf32, #tpu.memory_space<hbm>>
      %dma_start3A_75 = tpu.memref_slice %arg4[%mul3A_73] : memref<51200000xf32, #tpu.memory_space<hbm>> -> memref<32000xf32, #tpu.memory_space<hbm>>
      tpu.enqueue_dma source(%arg9 : memref<32000xf32, #tpu.memory_space<vmem>>) target(%dma_start3A_75 : memref<32000xf32, #tpu.memory_space<hbm>>) target_semaphore(%arg13 : memref<!tpu.dma_semaphore, #tpu.memory_space<semaphore_mem>>)
    }
    %scan3A_14 = arith.constant 25 : i32
    %add3A_15 = arith.constant 96000 : i32
    %add3A_16 = arith.addi %mul3A_2, %add3A_15 : i32
    %mul3A_17 = arith.constant 16 : i32
    %mul3A_18 = arith.muli %add3A_16, %mul3A_17 : i32
    %dma_wait3A = tpu.memref_slice %arg4[%mul3A_18] : memref<51200000xf32, #tpu.memory_space<hbm>> -> memref<32000xf32, #tpu.memory_space<hbm>>
    %dma_wait3A_19 = tpu.memref_slice %arg4[%mul3A_18] : memref<51200000xf32, #tpu.memory_space<hbm>> -> memref<32000xf32, #tpu.memory_space<hbm>>
    tpu.wait_dma2 semaphore(%arg12 : memref<!tpu.dma_semaphore, #tpu.memory_space<semaphore_mem>>) src(%arg8 : memref<32000xf32, #tpu.memory_space<vmem>>) dst(%dma_wait3A_19 : memref<32000xf32, #tpu.memory_space<hbm>>)
    %add3A_20 = arith.constant 98000 : i32
    %add3A_21 = arith.addi %mul3A_2, %add3A_20 : i32
    %mul3A_22 = arith.constant 16 : i32
    %mul3A_23 = arith.muli %add3A_21, %mul3A_22 : i32
    %dma_wait3A_24 = tpu.memref_slice %arg4[%mul3A_23] : memref<51200000xf32, #tpu.memory_space<hbm>> -> memref<32000xf32, #tpu.memory_space<hbm>>
    %dma_wait3A_25 = tpu.memref_slice %arg4[%mul3A_23] : memref<51200000xf32, #tpu.memory_space<hbm>> -> memref<32000xf32, #tpu.memory_space<hbm>>
    tpu.wait_dma2 semaphore(%arg13 : memref<!tpu.dma_semaphore, #tpu.memory_space<semaphore_mem>>) src(%arg9 : memref<32000xf32, #tpu.memory_space<vmem>>) dst(%dma_wait3A_25 : memref<32000xf32, #tpu.memory_space<hbm>>)
    return
  }
}

</mosaic_0001>

<sc_bundles>
// kernel: kernel.3.cloned.1.call-start
scs
__scs_entry_jumppad:
0x0: {  	(pc) =	sbr.rel $0x88, $3  }
0x1: {  	(tag) =	ssettag $0x0;
	lr =	simm.s32 $0x1  }
0x2: {  	[smem:$0x3F9F] =	sst lr;
	_ =	strace $0xD0000000  }
0x3: {  	_ = 	snop  }
0x4: {  	_ = 	snop  }
0x5: {  	_ = 	snop  }
0x6: {  	_ = 	snop  }
0x7: {  	_ = 	snop  }
__scs_overlays_trampoline_lowered:
0x8: {  	[smem:$0x3FAE] =	sst s0  }
0x9: {  	[smem:$0x3FAF] =	sst s1  }
0xa: {  	[smem:$0x3FB0] =	sst s2  }
0xb: {  	[smem:$0x3FB1] =	sst s3  }
0xc: {  	[smem:$0x3FB2] =	sst s4  }
0xd: {  	[smem:$0x3FB3] =	sst s5  }
0xe: {  	[smem:$0x3FB4] =	sst s6  }
0xf: {  	[smem:$0x3FB5] =	sst s7  }
0x10: {  	[smem:$0x3FB6] =	sst s8  }
0x11: {  	[smem:$0x3FB7] =	sst s9;
	s0 =	simm.s32 @!p0 $0x0  }
0x12: {  	s1 =	sld [smem:$0x3F9D];
	s0 =	simm.s32 @p0 $0x1  }
0x13: {  	[smem:$0x3FB8] =	sst s0;
	s0 =	simm.s32 @!p1 $0x0  }
0x14: {  	s2 =	sld [smem:$0x3F9C];
	s0 =	simm.s32 @p1 $0x1  }
0x15: {  	[smem:$0x3FB9] =	sst s0;
	s0 =	simm.s32 @!p2 $0x0  }
0x16: {  	s3 =	sld [smem:$0x3FDB];
	s0 =	simm.s32 @p2 $0x1  }
0x17: {  	s4 =	simm.s32 $0x1BF5;
	[smem:$0x3FBB] =	sst s0  }
0x18: {  	s0 =	sld [smem:$0x3F9E];
	_ =	swait.ge [sflag:s4], $0x0  }
0x19: {  	s7 =	sld [smem:$0x3F9F]  }
0x1a: {  	s8 =	sadd.s32 $0xFFFFE003, lr  }
0x1b: {  	s9 =	sadd.s32 $0xFFFFFEF7, lr;
	s5 =	simm.s32 $0xFFFFFFFF;
	p2 =	slt.u32 s8, $0xFFFFF086  }
0x1c: {  	p1 =	slt.u32 s9, $0xF7A;
	s5 =	simm.s32 @!p2 $0x0  }
0x1d: {  	s5 =	simm.s32 @p1 $0x1;
	p0 =	seq.s32 s7, s2  }
0x1e: {  	s7 =	smul.u32 @!p0 $0xF7A, s2;
	p2 =	seq.s32 @!p0 s5, $0x0  }
0x1f: {  	s9 =	smul.u32 $0xF7A, s1;
	s8 =	simm.s32 @!p0 $0x1BF5;
	p2 =	por !p2, p0  }
0x20: {  	[sflag:s8] =	ssyncset.s32 @!p0 $0xFFFFF086;
	s6 =	sadd.s32 @!p0 s3, s7;
	s7 =	simm.s32 @!p0 $0x108  }
0x21: {  	s3 =	sadd.s32 s3, s9;
	s6 =	sadd.s32 @!p0 $0x88, s6;
	s7 =	simm.s32 @p2 $0x1082  }
0x22: {  	[simem:s7], [sflag:s8] =	dma.local @!p0 [hbm:s6], $0xF7A  }
0x23: {  	s9 =	sor.u32 $0xD0000000, s2;
	s6 =	simm.s32 $0x108;
	_ =	swait.ge @!p0 [sflag:s8], $0x0  }
0x24: {  	s3 =	sadd.s32 $0x88, s3;
	s6 =	simm.s32 @!p1 $0x1082;
	[sflag:s4] =	ssyncset.s32 $0xFFFFF086  }
0x25: {  	[simem:s6], [sflag:s4] =	dma.local [hbm:s3], $0xF7A  }
0x26: {  	[smem:$0x3F9F] =	sst s1;
	(tag) =	ssettag s2;
	_ =	strace s9  }
0x27: {  	s1 =	sld [smem:$0x3FAF]  }
0x28: {  	s2 =	sld [smem:$0x3FB0]  }
0x29: {  	s4 =	sld [smem:$0x3FB2]  }
0x2a: {  	p0 =	seq.s32 s5, $0x0;
	s5 =	sld [smem:$0x3FB3]  }
0x2b: {  	s6 =	sld [smem:$0x3FB4]  }
0x2c: {  	s7 =	sld [smem:$0x3FB5]  }
0x2d: {  	s3 =	simm.s32 $0x108;
	s8 =	sld [smem:$0x3FB6]  }
0x2e: {  	s3 =	simm.s32 @!p0 $0x1082;
	s9 =	sld [smem:$0x3FB7]  }
0x2f: {  	lr =	sadd.s32 s0, s3;
	s0 =	sld [smem:$0x3FAE]  }
0x30: {  	s3 =	sld [smem:$0x3FB1]  }
0x31: {  	[smem:$0x3FBA] =	sst s10  }
0x32: {  	s10 =	sld [smem:$0x3FB8];
	_ =	sdelay $0x3  }
0x33: {  	p0 =	seq.s32 s10, $0x1;
	s10 =	sld [smem:$0x3FBA];
	_ =	sdelay $0x3  }
0x34: {  	[smem:$0x3FBA] =	sst s10  }
0x35: {  	s10 =	sld [smem:$0x3FB9];
	_ =	sdelay $0x3  }
0x36: {  	p1 =	seq.s32 s10, $0x1;
	s10 =	sld [smem:$0x3FBA];
	_ =	sdelay $0x3  }
0x37: {  	[smem:$0x3FBA] =	sst s10  }
0x38: {  	s10 =	sld [smem:$0x3FBB]  }
0x39: {  	_ = 	snop;
	(pc) =	sbr.ind lr, $3  }
0x3a: {  	_ = 	snop  }
0x3b: {  	_ = 	snop  }
0x3c: {  	p2 =	seq.s32 s10, $0x1;
	s10 =	sld [smem:$0x3FBA]  }
0x3d: {  	_ =	shalt  }
0x3e: {  	_ =	shalt  }
0x3f: {  	_ =	shalt  }
0x40: {  	_ =	shalt  }
0x41: {  	_ =	shalt  }
0x42: {  	_ =	shalt  }
0x43: {  	_ =	shalt  }
0x44: {  	_ =	shalt  }
0x45: {  	_ =	shalt  }
0x46: {  	_ =	shalt  }
0x47: {  	_ =	shalt  }
0x48: {  	_ =	shalt  }
0x49: {  	_ =	shalt  }
0x4a: {  	_ =	shalt  }
0x4b: {  	_ =	shalt  }
0x4c: {  	_ =	shalt  }
0x4d: {  	_ =	shalt  }
0x4e: {  	_ =	shalt  }
0x4f: {  	_ =	shalt  }
0x50: {  	_ =	shalt  }
0x51: {  	_ =	shalt  }
0x52: {  	_ =	shalt  }
0x53: {  	_ =	shalt  }
0x54: {  	_ =	shalt  }
0x55: {  	_ =	shalt  }
0x56: {  	_ =	shalt  }
0x57: {  	_ =	shalt  }
0x58: {  	_ =	shalt  }
0x59: {  	_ =	shalt  }
0x5a: {  	_ =	shalt  }
0x5b: {  	_ =	shalt  }
0x5c: {  	_ =	shalt  }
0x5d: {  	_ =	shalt  }
0x5e: {  	_ =	shalt  }
0x5f: {  	_ =	shalt  }
0x60: {  	_ =	shalt  }
0x61: {  	_ =	shalt  }
0x62: {  	_ =	shalt  }
0x63: {  	_ =	shalt  }
0x64: {  	_ =	shalt  }
0x65: {  	_ =	shalt  }
0x66: {  	_ =	shalt  }
0x67: {  	_ =	shalt  }
0x68: {  	_ =	shalt  }
0x69: {  	_ =	shalt  }
0x6a: {  	_ =	shalt  }
0x6b: {  	_ =	shalt  }
0x6c: {  	_ =	shalt  }
0x6d: {  	_ =	shalt  }
0x6e: {  	_ =	shalt  }
0x6f: {  	_ =	shalt  }
0x70: {  	_ =	shalt  }
0x71: {  	_ =	shalt  }
0x72: {  	_ =	shalt  }
0x73: {  	_ =	shalt  }
0x74: {  	_ =	shalt  }
0x75: {  	_ =	shalt  }
0x76: {  	_ =	shalt  }
0x77: {  	_ =	shalt  }
0x78: {  	_ =	shalt  }
0x79: {  	_ =	shalt  }
0x7a: {  	_ =	shalt  }
0x7b: {  	_ =	shalt  }
0x7c: {  	_ =	shalt  }
0x7d: {  	_ =	shalt  }
0x7e: {  	_ =	shalt  }
0x7f: {  	_ =	shalt  }
0x80: {  	_ =	shalt  }
0x81: {  	_ =	shalt  }
0x82: {  	_ =	shalt  }
0x83: {  	_ =	shalt  }
0x84: {  	_ =	shalt  }
0x85: {  	_ =	shalt  }
0x86: {  	_ =	shalt  }
0x87: {  	_ =	shalt  }
.Lfunc_end0:
.L_simem_size_0:
called_computation.1_lowered:
.L_overlay_start_0:
0x88: {  	s2 =	sld [smem:$0x3FD9]  }
0x89: {  	s3 =	sld [smem:$0x3FFE];
	_ =	sdelay $0x1  }
0x8a: {  	s1 =	srdreg.scid  }
0x8b: {  	s0 =	sand.u32 $0x1, s1  }
0x8c: {  	s17 =	sshll.u32 s0, $0xA;
	s2 =	sadd.s32 s3, s2  }
0x8d: {  	s2 =	sadd.s32 s2, s17  }
0x8e: {  	[smem:$0x3FC6] =	sst s2  }
0x8f: {  	_ = 	snop  }
0x90: {  	s2 =	sld [smem:$0x3FC9]  }
0x91: {  	s18 =	sld [smem:$0x3FD0];
	(tm) =	ssettm $0x1  }
0x92: {  	s4 =	sld [smem:$0x3FFB];
	_ =	sdelay $0x3  }
0x93: {  	_ =	strace s4  }
0x94: {  	s4 =	sld [smem:$0x3FFC];
	_ =	sdelay $0x3  }
0x95: {  	_ =	strace s4  }
0x96: {  	s4 =	sld [smem:$0x3FFD];
	_ =	sdelay $0x3  }
0x97: {  	_ =	strace s4  }
0x98: {  	_ =	strace $0x8FFFFFFF  }
0x99: {  	s19 =	sld [smem:$0x3FDB];
	_ =	sdelay $0x1  }
0x9a: {  	s5 =	simm.s32 $_scs_section_size  }
0x9b: {  	s6 =	simm.s32 $_size__tile_overlayer_lowered;
	s7 =	simm.s32 $_tile_overlayer_lowered  }
0x9c: {  	s22 =	simm.s32 $0x1BFF;
	s21 =	sshll.u32 s7, $0x1;
	s4 =	sadd.s32 s5, s19  }
0x9d: {  	s8 =	simm.s32 $0x0;
	s20 =	sshll.u32 s6, $0x1;
	s6 =	sadd.s32 s21, s4  }
0x9e: {  	[timem:s8], [sflag:s22] =	dma.local [hbm:s6], s20  }
0x9f: {  	_ =	swait.ge [sflag:s22], s20  }
0xa0: {  	s5 =	ssub.s32 $0x0, s20;
	[sflag:s22] =	ssyncset.done $0x0  }
0xa1: {  	[sflag:s22] =	ssyncadd.s32 s5;
	_ =	sdelay $0x1  }
0xa2: {  	s23 =	simm.s32 $0x1B8B  }
0xa3: {  	_ =	swait.ge [sflag:s23], $0x1  }
0xa4: {  	[sflag:s23] =	ssyncset.done $0x0  }
0xa5: {  	s25 =	simm.s32 $0x1B8E;
	s24 =	sld [smem:$0x3FFE];
	[sflag:s23] =	ssyncadd.s32 $0xFFFFFFFF  }
0xa6: {  	s26 =	simm.s32 $execute0_lowered;
	[smem:$0x3FD2] =	sst s25  }
0xa7: {  	s6 =	sshll.u32 s26, $0x1;
	_ =	strace $0x80000046;
	[dreg:$0x1] =	wrdreg $0xFFFFFFFF  }
0xa8: {  	s28 =	simm.s32 $_size_execute0_lowered;
	s4 =	sadd.s32 s4, s6;
	[dreg:$0x0] =	wrdreg $0x0  }
0xa9: {  	s6 =	sshll.u32 s28, $0x1;
	[dreg:$0x2] =	wrdreg s4  }
0xaa: {  	[dreg:$0x3] =	wrdreg s6  }
0xab: {  	[dreg:$0x4] =	wrdreg $0xC0  }
0xac: {  	_ =	task [dreg:s8], $0x5FFFF  }
0xad: {  	[dreg:$0x1] =	wrdreg $0xFFFFFFFF  }
0xae: {  	[dreg:$0x0] =	wrdreg $0x60  }
0xaf: {  	[dreg:$0x2] =	wrdreg s2  }
0xb0: {  	[dreg:$0x3] =	wrdreg s24  }
0xb1: {  	[dreg:$0x4] =	wrdreg s18  }
0xb2: {  	[dreg:$0x5] =	wrdreg $0x9  }
0xb3: {  	_ =	task.clear_ibuf [dreg:s8], $0x6FFFF;
	_ =	strace $0x90000046  }
0xb4: {  	s29 =	simm.s32 $0x9;
	_ =	strace $0x80000048  }
0xb5: {  	_ =	swait.ge [sflag:s29], $0x1  }
0xb6: {  	[sflag:s29] =	ssyncadd.s32 $0xFFFFFFFF  }
0xb7: {  	_ =	strace $0x90000048  }
0xb8: {  	_ =	sfence  }
0xb9: {  	s30 =	sld [smem:$0x0];
	_ =	sdelay $0x2  }
0xba: {  	s31 =	sshll.u32 s1, $0xD;
	s1 =	sshrl.u32 s1, $0x2  }
0xbb: {  	s3 =	sand.u32 $0x4000, s31;
	s1 =	sadd.s32 s1, s30  }
0xbc: {  	s0 =	sor.u32 s3, s0;
	s1 =	sshll.u32 s1, $0x11  }
0xbd: {  	s0 =	sor.u32 s1, s0  }
0xbe: {  	s0 =	sadd.s32 $0x8F2B, s0  }
0xbf: {  	[sflag:s0] =	ssyncadd.remote.s32 $0x1  }
0xc0: {  	_ =	sfence.sel $0xFFFF  }
0xc1: {  	[dreg:$0x0] =	wrdreg $0xFFFFFFFF;
	(pc) =	sbr.abs _section_cstart, $3  }
0xc2: {  	[dreg:$0x1] =	wrdreg $0xFFFFFFFF  }
0xc3: {  	_ =	task.clear_ibuf [dreg:s8], $0x2FFFF;
	_ =	strace $0x9FFFFFFF  }
0xc4: {  	(tm) =	ssettm $0x7FFFFFFF  }
0xc5: {  	_ =	shalt  }
tec
execute0_lowered:
.L_overlay_start_1:
0x0: {  	(tag) =	ssettag $0x1  }
0x1: {  	s1 =	rddreg [dreg:$0x0]  }
0x2: {  	s2 =	rddreg [dreg:$0x1]  }
0x3: {  	s4 =	srdreg.scid;
	s0 =	stileid.u32  }
0x4: {  	s3 =	rddreg [dreg:$0x2];
	s13 =	simm.s32 $0x5;
	s14 =	simm.s32 $0x200  }
0x5: {  	s15 =	simm.s32 $0xA00;
	s16 =	simm.s32 $0x1;
	s17 =	simm.s32 $0x1200  }
0x6: {  	s18 =	simm.s32 $0x2;
	s19 =	simm.s32 $0x8F00;
	s20 =	simm.s32 $0x3  }
0x7: {  	s21 =	simm.s32 $0x4;
	s6 =	sand.u32 $0x1, s4;
	s5 =	sshll.u32 s0, $0x1  }
0x8: {  	s22 =	simm.s32 $0x0;
	s4 =	simm.s32 $0x0;
	s5 =	sor.u32 s6, s5  }
0x9: {  	v32 =	vimm.s32 $0x4;
	v33 =	vimm.s32 $0x0;
	[smem:$0x7FF] =	sst s4;
	s8 =	ssub.s32 $0x2, s6;
	s5 =	smul.u32 $0x186A0, s5  }
0xa: {  	v2 =	vlaneseq.u32;
	v34 =	vimm.s32 $0x1;
	v35 =	vimm.s32 $0x2;
	s6 =	sadd.s32 $0x800, s2;
	_ =	strace $0x80000047;
	s30 =	sshrl.u32 s8, $0x1  }
0xb: {  	v59 =	vimm.s32 $0x3;
	v12 =	vimm.s32 $0x6;
	v14 =	vimm.s32 $0x7;
	s2 =	ssub.s32 s8, s30;
	s7 =	sadd.s32 $0x7D0, s5;
	s31 =	sshrl.u32 s5, $0x3  }
0xc: {  	v25 =	vimm.s32 $0xA;
	v26 =	vimm.s32 $0xB;
	v27 =	vimm.s32 $0xC;
	s10 =	sadd.s32 $0xFA0, s5;
	s11 =	sadd.s32 $0x1770, s5;
	s9 =	sshrl.u32 s7, $0x3  }
0xd: {  	v29 =	vimm.s32 $0xD;
	v30 =	vimm.s32 $0xE;
	v31 =	vimm.s32 $0xF;
	s12 =	smax.u32 s2, $0x1;
	s8 =	sadd.s32 s1, s31;
	s9 =	sadd.s32 s1, s9  }
.LBB2_1:
0xe: {  	[tilespmem:s4], [sflag:$0x5] =	stream.linear.gather [hbm4b:s6+s4], $0x200, $0x38;
	[tilespmem:$0x10C00] =	vst v63  }
0xf: {  	_ =	swait.ge [sflag:s13], $0x200  }
0x10: {  	[sflag:s13] =	ssyncset.done $0x0  }
0x11: {  	[sflag:s13] =	ssyncadd.s32 $0xFFFFFE00  }
0x12: {  	[tilespmem:s14], [sflag:$0x1] =	stream.linear.gather [hbm4b:s8+s4], $0x7D0, $0x38;
	[tilespmem:$0x10C00] =	vst v63  }
0x13: {  	s23 =	simm.s32 $0x0  }
0x14: {  	[tilespmem:s15], [sflag:$0x2] =	stream.linear.gather [hbm4b:s9+s4], $0x7D0, $0x38;
	[tilespmem:$0x10C00] =	vst v63  }
.LBB2_2:
0x15: {  	_ =	swait.ge [sflag:s16], $0x7D0  }
0x16: {  	p0 =	seq.s32 s23, $0x0;
	[sflag:s16] =	ssyncset.done $0x0  }
0x17: {  	s2 =	simm.s32 @!p0 $0x3;
	[sflag:s16] =	ssyncadd.s32 $0xFFFFF830  }
0x18: {  	_ =	swait.ge @!p0 [sflag:s2], $0x7D00  }
0x19: {  	[sflag:s2] =	ssyncset.done @!p0 $0x0  }
0x1a: {  	s24 =	simm.s32 $0x210;
	[sflag:s2] =	ssyncadd.s32 @!p0 $0xFFFF8300  }
0x1b: {  	v0 =	vld [tilespmem:s24+$0x0];
	_ =	sdelay $0x1  }
0x1c: {  	v1 =	vld [tilespmem:s24+$0xFFFFFFF0];
	_ =	sdelay $0x2  }
0x1d: {  	v5 =	vshll.u32 v0, $0x4  }
0x1e: {  	v0 =	vperm.xlane v5, v33  }
0x1f: {  	v6 =	vshll.u32 v1, $0x4  }
0x20: {  	v1 =	vperm.xlane v6, v33;
	v0 =	vadd.s32 v2, v0;
	_ =	sdelay $0x1  }
0x21: {  	v1 =	vadd.s32 v2, v1;
	_ =	sdelay $0x1  }
0x22: {  	v3 =	vperm.xlane v5, v34  }
0x23: {  	v0 =	vld.idx.msk [tilespmem:v0+s4+$0x0], $0xffff  }
0x24: {  	v4 =	vperm.xlane v6, v34;
	v3 =	vadd.s32 v2, v3  }
0x25: {  	v1 =	vld.idx.msk [tilespmem:v1+s4+$0x0], $0xffff  }
0x26: {  	v4 =	vadd.s32 v2, v4  }
0x27: {  	s26 =	simm.s32 $0x1300  }
0x28: {  	v7 =	vperm.xlane v5, v35;
	[tilespmem:s26+$0x0] =	vst v0  }
0x29: {  	v0 =	vld.idx.msk [tilespmem:v3+s4+$0x0], $0xffff  }
0x2a: {  	[tilespmem:s26+$0xFFFFFF00] =	vst v1;
	v1 =	vadd.s32 v2, v7;
	v3 =	vperm.xlane v6, v35  }
0x2b: {  	v4 =	vld.idx.msk [tilespmem:v4+s4+$0x0], $0xffff  }
0x2c: {  	s25 =	simm.s32 $0x230;
	v3 =	vadd.s32 v2, v3  }
0x2d: {  	v9 =	vld [tilespmem:s25+$0x0]  }
0x2e: {  	v7 =	vld [tilespmem:s25+$0xFFFFFFF0];
	[tilespmem:s26+$0x10] =	vst v0  }
0x2f: {  	v0 =	vld.idx.msk [tilespmem:v1+s4+$0x0], $0xffff  }
0x30: {  	v8 =	vperm.xlane v5, v59;
	[tilespmem:s26+$0xFFFFFF10] =	vst v4  }
0x31: {  	v3 =	vld.idx.msk [tilespmem:v3+s4+$0x0], $0xffff  }
0x32: {  	v1 =	vadd.s32 v2, v8  }
0x33: {  	v17 =	vshll.u32 v9, $0x4;
	v8 =	vperm.xlane v6, v59  }
0x34: {  	v15 =	vshll.u32 v7, $0x4;
	[tilespmem:s26+$0x20] =	vst v0;
	v0 =	vperm.xlane v17, v33  }
0x35: {  	v4 =	vperm.xlane v15, v33;
	v8 =	vadd.s32 v2, v8  }
0x36: {  	v7 =	vperm.xlane v5, v32;
	[tilespmem:s26+$0xFFFFFF20] =	vst v3;
	v3 =	vadd.s32 v2, v0  }
0x37: {  	v4 =	vadd.s32 v2, v4;
	v1 =	vld.idx.msk [tilespmem:v1+s4+$0x0], $0xffff  }
0x38: {  	v20 =	vadd.s32 v2, v7;
	_ =	sdelay $0x1  }
0x39: {  	v10 =	vperm.xlane v6, v32;
	v24 =	vld.idx.msk [tilespmem:v8+s4+$0x0], $0xffff  }
0x3a: {  	v13 =	vperm.xlane v6, v12;
	v28 =	vld.idx.msk [tilespmem:v3+s4+$0x0], $0xffff;
	v3 =	vperm.xlane v5, v29  }
0x3b: {  	v9 =	vperm.xlane v5, v12;
	v12 =	vperm.xlane v5, v25;
	v25 =	vld.idx.msk [tilespmem:v4+s4+$0x0], $0xffff;
	[tilespmem:s26+$0x30] =	vst v1  }
0x3c: {  	v16 =	vimm.s32 $0x5;
	v20 =	vld.idx.msk [tilespmem:v20+s4+$0x0], $0xffff;
	[tilespmem:$0x1FFC0] =	vst v3;
	v3 =	vperm.xlane v6, v29  }
0x3d: {  	v11 =	vperm.xlane v6, v16;
	v16 =	vperm.xlane v5, v16;
	v10 =	vadd.s32 v2, v10  }
0x3e: {  	v18 =	vperm.xlane v5, v14;
	[tilespmem:$0x1FFE0] =	vst v3;
	v3 =	vperm.xlane v6, v30  }
0x3f: {  	v21 =	vperm.xlane v6, v14;
	v7 =	vimm.s32 $0x9;
	v0 =	vperm.xlane v15, v34;
	[tilespmem:s26+$0xFFFFFF30] =	vst v24  }
0x40: {  	s25 =	simm.s32 $0x1500;
	v22 =	vperm.xlane v5, v7;
	[tilespmem:$0x1FE90] =	vst v3;
	v3 =	vperm.xlane v5, v30  }
0x41: {  	v14 =	vperm.xlane v6, v7;
	v7 =	vperm.xlane v5, v26;
	v26 =	vadd.s32 v2, v0;
	[tilespmem:s25+$0xFFFFFF00] =	vst v25  }
0x42: {  	v10 =	vld.idx.msk [tilespmem:v10+s4+$0x0], $0xffff;
	[tilespmem:$0x1FEA0] =	vst v3;
	v3 =	vperm.xlane v5, v31  }
0x43: {  	v16 =	vadd.s32 v2, v16;
	v1 =	vperm.xlane v5, v27;
	v27 =	vperm.xlane v17, v34  }
0x44: {  	[tilespmem:$0x1FEB0] =	vst v3;
	v3 =	vperm.xlane v6, v31  }
0x45: {  	v60 =	vimm.s32 $0x8;
	v24 =	vadd.s32 v2, v27  }
0x46: {  	v43 =	vimm.s32 $0xB;
	v19 =	vperm.xlane v5, v60;
	v25 =	vld.idx.msk [tilespmem:v26+s4+$0x0], $0xffff;
	[tilespmem:$0x1FEC0] =	vst v3  }
0x47: {  	v45 =	vimm.s32 $0xC;
	v23 =	vperm.xlane v6, v60;
	v27 =	vperm.xlane v15, v35;
	[tilespmem:s26+$0x40] =	vst v20  }
0x48: {  	v4 =	vperm.xlane v6, v43;
	v8 =	vimm.s32 $0xA;
	v5 =	vadd.s32 v2, v11;
	v16 =	vld.idx.msk [tilespmem:v16+s4+$0x0], $0xffff  }
0x49: {  	v8 =	vperm.xlane v6, v8;
	v0 =	vperm.xlane v6, v45;
	v6 =	vadd.s32 v2, v27;
	[tilespmem:s25+$0x0] =	vst v28  }
0x4a: {  	s24 =	simm.s32 $0x250;
	v24 =	vld.idx.msk [tilespmem:v24+s4+$0x0], $0xffff  }
0x4b: {  	v27 =	vperm.xlane v17, v35;
	[tilespmem:s26+$0xFFFFFF40] =	vst v10;
	v55 =	vld [tilespmem:s24+$0xFFFFFFF0]  }
0x4c: {  	v29 =	vadd.s32 v2, v9;
	v9 =	vperm.xlane v15, v60;
	v40 =	vld [tilespmem:s24+$0x0];
	[tilespmem:s25+$0xFFFFFF10] =	vst v25  }
0x4d: {  	v27 =	vadd.s32 v2, v27;
	v38 =	vld.idx.msk [tilespmem:v5+s4+$0x0], $0xffff;
	[tilespmem:s26+$0x50] =	vst v16  }
0x4e: {  	v37 =	vimm.s32 $0xA;
	v39 =	vld.idx.msk [tilespmem:v6+s4+$0x0], $0xffff;
	[tilespmem:$0x1FFD0] =	vst v9  }
0x4f: {  	[tilespmem:s25+$0x10] =	vst v24;
	v24 =	vadd.s32 v2, v13;
	v13 =	vperm.xlane v17, v37  }
0x50: {  	v36 =	vimm.s32 $0x9;
	v26 =	vperm.xlane v15, v59  }
0x51: {  	v16 =	vld.idx.msk [tilespmem:v29+s4+$0x0], $0xffff;
	v29 =	vperm.xlane v15, v36;
	[tilespmem:$0x1FED0] =	vst v13  }
0x52: {  	v26 =	vadd.s32 v2, v26;
	v27 =	vld.idx.msk [tilespmem:v27+s4+$0x0], $0xffff  }
0x53: {  	v56 =	vperm.xlane v17, v45;
	v30 =	vperm.xlane v17, v59;
	[tilespmem:$0x1FEE0] =	vst v29  }
0x54: {  	v41 =	vimm.s32 $0x0;
	v18 =	vadd.s32 v2, v18;
	v13 =	vshll.u32 v55, $0x4;
	[tilespmem:s25+$0xFFFFFF20] =	vst v39  }
0x55: {  	v29 =	vadd.s32 v2, v30;
	v30 =	vperm.xlane v13, v41;
	[tilespmem:$0x1FEF0] =	vst v56  }
0x56: {  	v57 =	vimm.s32 $0xD;
	[tilespmem:s26+$0xFFFFFF50] =	vst v38  }
0x57: {  	v53 =	vimm.s32 $0x5;
	v30 =	vadd.s32 v2, v30;
	v26 =	vld.idx.msk [tilespmem:v26+s4+$0x0], $0xffff;
	[tilespmem:s25+$0x20] =	vst v27;
	v27 =	vperm.xlane v17, v57  }
0x58: {  	v54 =	vimm.s32 $0x6;
	v61 =	vimm.s32 $0xE;
	v33 =	vperm.xlane v15, v57;
	[tilespmem:s26+$0x60] =	vst v16;
	v16 =	vld.idx.msk [tilespmem:v24+s4+$0x0], $0xffff  }
0x59: {  	v62 =	vperm.xlane v15, v61;
	v20 =	vperm.xlane v15, v32;
	v24 =	vshll.u32 v40, $0x4;
	v18 =	vld.idx.msk [tilespmem:v18+s4+$0x0], $0xffff;
	[tilespmem:$0x1FF00] =	vst v27  }
0x5a: {  	v42 =	vimm.s32 $0x1;
	v47 =	vperm.xlane v15, v45;
	v27 =	vperm.xlane v24, v41;
	v29 =	vld.idx.msk [tilespmem:v29+s4+$0x0], $0xffff;
	[tilespmem:$0x1FF10] =	vst v33  }
0x5b: {  	v11 =	vperm.xlane v15, v54;
	v31 =	vperm.xlane v17, v32;
	v20 =	vadd.s32 v2, v20;
	[tilespmem:$0x1FF20] =	vst v62  }
0x5c: {  	v5 =	vimm.s32 $0x7;
	[tilespmem:s25+$0xFFFFFF30] =	vst v26;
	v26 =	vadd.s32 v2, v27;
	v27 =	vld.idx.msk [tilespmem:v30+s4+$0x0], $0xffff;
	v30 =	vperm.xlane v17, v61  }
0x5d: {  	v21 =	vadd.s32 v2, v21;
	v28 =	vperm.xlane v15, v53;
	v25 =	vperm.xlane v17, v5  }
0x5e: {  	v3 =	vimm.s32 $0xF;
	v6 =	vperm.xlane v15, v5;
	v5 =	vperm.xlane v17, v36;
	[tilespmem:$0x1FF30] =	vst v30  }
0x5f: {  	v19 =	vadd.s32 v2, v19;
	v36 =	vperm.xlane v17, v43;
	[tilespmem:s26+$0xFFFFFF60] =	vst v16;
	v16 =	vperm.xlane v17, v3  }
0x60: {  	v31 =	vadd.s32 v2, v31;
	v37 =	vperm.xlane v15, v37;
	v43 =	vperm.xlane v15, v43  }
0x61: {  	v15 =	vperm.xlane v15, v3;
	v58 =	vperm.xlane v13, v42;
	v20 =	vld.idx.msk [tilespmem:v20+s4+$0x0], $0xffff;
	[tilespmem:$0x1FF40] =	vst v16  }
0x62: {  	v34 =	vperm.xlane v17, v53;
	v35 =	vperm.xlane v17, v54;
	[tilespmem:s26+$0x70] =	vst v18  }
0x63: {  	v10 =	vperm.xlane v17, v60;
	v30 =	vadd.s32 v2, v58;
	v17 =	vld.idx.msk [tilespmem:v21+s4+$0x0], $0xffff;
	[tilespmem:$0x1FF50] =	vst v15  }
0x64: {  	v18 =	vadd.s32 v2, v23;
	v15 =	vld.idx.msk [tilespmem:v19+s4+$0x0], $0xffff  }
0x65: {  	s28 =	simm.s32 $0x1700;
	v16 =	vadd.s32 v2, v28;
	[tilespmem:s25+$0x30] =	vst v29;
	v26 =	vld.idx.msk [tilespmem:v26+s4+$0x0], $0xffff  }
0x66: {  	v44 =	vimm.s32 $0x2;
	v22 =	vadd.s32 v2, v22;
	v21 =	vperm.xlane v24, v42;
	[tilespmem:s28+$0xFFFFFF00] =	vst v27;
	v23 =	vld.idx.msk [tilespmem:v31+s4+$0x0], $0xffff  }
0x67: {  	v19 =	vperm.xlane v13, v44;
	v27 =	vadd.s32 v2, v34;
	[tilespmem:s25+$0xFFFFFF40] =	vst v20  }
0x68: {  	v21 =	vadd.s32 v2, v21;
	v20 =	vld.idx.msk [tilespmem:v30+s4+$0x0], $0xffff;
	[tilespmem:s26+$0xFFFFFF70] =	vst v17  }
0x69: {  	v31 =	vimm.s32 $0x5;
	v17 =	vadd.s32 v2, v19;
	[tilespmem:s26+$0x80] =	vst v15;
	v15 =	vld.idx.msk [tilespmem:v18+s4+$0x0], $0xffff  }
0x6a: {  	v14 =	vadd.s32 v2, v14;
	v16 =	vld.idx.msk [tilespmem:v16+s4+$0x0], $0xffff;
	v9 =	vperm.xlane v24, v31;
	[tilespmem:s28+$0x0] =	vst v26  }
0x6b: {  	v22 =	vld.idx.msk [tilespmem:v22+s4+$0x0], $0xffff;
	[tilespmem:s25+$0x40] =	vst v23  }
0x6c: {  	v12 =	vadd.s32 v2, v12;
	v19 =	vperm.xlane v24, v44;
	v26 =	vld.idx.msk [tilespmem:v27+s4+$0x0], $0xffff;
	[tilespmem:$0x1FFF0] =	vst v9  }
0x6d: {  	v21 =	vld.idx.msk [tilespmem:v21+s4+$0x0], $0xffff;
	[tilespmem:s28+$0xFFFFFF10] =	vst v20;
	v20 =	vadd.s32 v2, v35  }
0x6e: {  	v19 =	vadd.s32 v2, v19;
	v17 =	vld.idx.msk [tilespmem:v17+s4+$0x0], $0xffff;
	[tilespmem:s26+$0xFFFFFF80] =	vst v15  }
0x6f: {  	v28 =	vperm.xlane v13, v59;
	v14 =	vld.idx.msk [tilespmem:v14+s4+$0x0], $0xffff  }
0x70: {  	[tilespmem:s26+$0x90] =	vst v22  }
0x71: {  	v15 =	vadd.s32 v2, v28;
	v12 =	vld.idx.msk [tilespmem:v12+s4+$0x0], $0xffff;
	[tilespmem:s25+$0x50] =	vst v26  }
0x72: {  	v7 =	vadd.s32 v2, v7;
	v8 =	vadd.s32 v2, v8;
	v27 =	vimm.s32 $0x7;
	[tilespmem:s28+$0x10] =	vst v21;
	v20 =	vld.idx.msk [tilespmem:v20+s4+$0x0], $0xffff  }
0x73: {  	s24 =	simm.s32 $0x270;
	v52 =	vperm.xlane v24, v27;
	[tilespmem:s28+$0xFFFFFF20] =	vst v17;
	v17 =	vld.idx.msk [tilespmem:v19+s4+$0x0], $0xffff;
	v19 =	vadd.s32 v2, v25;
	v25 =	vimm.s32 $0xD  }
0x74: {  	v54 =	vperm.xlane v13, v27;
	v27 =	vld [tilespmem:s24+$0xFFFFFFF0];
	v21 =	vimm.s32 $0xB;
	[tilespmem:s26+$0xFFFFFF90] =	vst v14;
	v14 =	vperm.xlane v24, v25  }
0x75: {  	v42 =	vperm.xlane v24, v21;
	v41 =	vperm.xlane v13, v21;
	v21 =	vld [tilespmem:s24+$0x0]  }
0x76: {  	v15 =	vld.idx.msk [tilespmem:v15+s4+$0x0], $0xffff;
	[tilespmem:$0x1FF60] =	vst v14  }
0x77: {  	v63 =	vimm.s32 $0x6;
	v18 =	vperm.xlane v24, v59;
	v14 =	vperm.xlane v13, v25;
	[tilespmem:s26+$0xA0] =	vst v12  }
0x78: {  	v51 =	vperm.xlane v13, v63;
	v29 =	vperm.xlane v13, v32;
	v22 =	vimm.s32 $0xA;
	v8 =	vld.idx.msk [tilespmem:v8+s4+$0x0], $0xffff;
	[tilespmem:s25+$0x60] =	vst v20  }
0x79: {  	v18 =	vadd.s32 v2, v18;
	v40 =	vperm.xlane v24, v22;
	v7 =	vld.idx.msk [tilespmem:v7+s4+$0x0], $0xffff;
	[tilespmem:$0x1FF70] =	vst v14  }
0x7a: {  	v44 =	vperm.xlane v13, v22;
	v22 =	vimm.s32 $0xC;
	v14 =	vld.idx.msk [tilespmem:v19+s4+$0x0], $0xffff;
	v19 =	vimm.s32 $0xE  }
0x7b: {  	v33 =	vimm.s32 $0x0;
	v39 =	vperm.xlane v24, v22;
	[tilespmem:s28+$0x20] =	vst v17;
	v17 =	vperm.xlane v13, v19  }
0x7c: {  	v38 =	vperm.xlane v13, v22;
	v22 =	vadd.s32 v2, v29;
	v46 =	vshll.u32 v27, $0x4  }
0x7d: {  	v12 =	vperm.xlane v46, v33;
	[tilespmem:$0x1FF80] =	vst v17;
	v17 =	vperm.xlane v24, v19  }
0x7e: {  	v11 =	vadd.s32 v2, v11;
	v50 =	vperm.xlane v13, v60;
	v30 =	vperm.xlane v13, v31;
	[tilespmem:s28+$0xFFFFFF30] =	vst v15  }
0x7f: {  	v28 =	vimm.s32 $0x9;
	v12 =	vadd.s32 v2, v12;
	v15 =	vld.idx.msk [tilespmem:v18+s4+$0x0], $0xffff;
	[tilespmem:$0x1FF90] =	vst v17;
	v17 =	vperm.xlane v24, v3  }
0x80: {  	v4 =	vadd.s32 v2, v4;
	v48 =	vperm.xlane v13, v28;
	v13 =	vperm.xlane v13, v3;
	[tilespmem:s25+$0xFFFFFF50] =	vst v16  }
0x81: {  	v1 =	vadd.s32 v2, v1;
	v16 =	vld.idx.msk [tilespmem:v22+s4+$0x0], $0xffff;
	[tilespmem:$0x1FFA0] =	vst v17  }
0x82: {  	v10 =	vadd.s32 v2, v10;
	[tilespmem:$0x1FFB0] =	vst v13  }
0x83: {  	v20 =	vadd.s32 v2, v30;
	v11 =	vld.idx.msk [tilespmem:v11+s4+$0x0], $0xffff;
	[tilespmem:s26+$0xFFFFFFA0] =	vst v8  }
0x84: {  	[tilespmem:s26+$0xB0] =	vst v7;
	v12 =	vld.idx.msk [tilespmem:v12+s4+$0x0], $0xffff  }
0x85: {  	[tilespmem:s25+$0x70] =	vst v14;
	v7 =	vld.idx.msk [tilespmem:v4+s4+$0x0], $0xffff  }
0x86: {  	v18 =	vshll.u32 v21, $0x4;
	v21 =	vld.idx.msk [tilespmem:v1+s4+$0x0], $0xffff;
	[tilespmem:s28+$0x30] =	vst v15  }
0x87: {  	v10 =	vld.idx.msk [tilespmem:v10+s4+$0x0], $0xffff;
	[tilespmem:s28+$0xFFFFFF40] =	vst v16  }
0x88: {  	s30 =	simm.s32 $0x1900;
	v16 =	vld.idx.msk [tilespmem:v20+s4+$0x0], $0xffff;
	[tilespmem:s25+$0xFFFFFF60] =	vst v11  }
0x89: {  	[tilespmem:s30+$0xFFFFFF00] =	vst v12  }
0x8a: {  	v53 =	vimm.s32 $0x9;
	v55 =	vperm.xlane v24, v63;
	[tilespmem:s26+$0xFFFFFFB0] =	vst v7  }
0x8b: {  	v6 =	vadd.s32 v2, v6;
	v49 =	vperm.xlane v24, v60;
	v23 =	vperm.xlane v24, v32;
	[tilespmem:s26+$0xC0] =	vst v21  }
0x8c: {  	v57 =	vimm.s32 $0xB;
	v63 =	vimm.s32 $0xC;
	v34 =	vimm.s32 $0x1;
	[tilespmem:s25+$0x80] =	vst v10  }
0x8d: {  	v15 =	vadd.s32 v2, v23;
	v10 =	vadd.s32 v2, v5;
	v5 =	vperm.xlane v18, v3;
	v3 =	vld [tilespmem:$0x1FFC0];
	[tilespmem:s28+$0xFFFFFF50] =	vst v16  }
0x8e: {  	v9 =	vimm.s32 $0x7;
	v35 =	vimm.s32 $0x2;
	v45 =	vperm.xlane v24, v28;
	v16 =	vld [tilespmem:$0x1FFD0]  }
0x8f: {  	v27 =	vimm.s32 $0x5;
	v19 =	vperm.xlane v18, v33;
	v31 =	vperm.xlane v18, v34  }
0x90: {  	v28 =	vimm.s32 $0xE;
	v62 =	vperm.xlane v18, v32;
	v61 =	vperm.xlane v18, v27  }
0x91: {  	v25 =	vimm.s32 $0xD;
	v56 =	vperm.xlane v18, v53;
	v58 =	vperm.xlane v18, v57  }
0x92: {  	v57 =	vimm.s32 $0xB;
	v53 =	vperm.xlane v18, v63;
	v63 =	vperm.xlane v18, v28;
	v22 =	vld.idx.msk [tilespmem:v15+s4+$0x0], $0xffff  }
0x93: {  	v15 =	vadd.s32 v2, v3;
	v3 =	vperm.xlane v46, v27;
	v27 =	vadd.s32 v2, v16;
	v16 =	vld [tilespmem:$0x1FFE0]  }
0x94: {  	v57 =	vperm.xlane v46, v57;
	v17 =	vadd.s32 v2, v0;
	v13 =	vperm.xlane v46, v34  }
0x95: {  	v0 =	vperm.xlane v18, v9;
	v19 =	vadd.s32 v2, v19;
	v9 =	vperm.xlane v46, v9  }
0x96: {  	v14 =	vperm.xlane v18, v35;
	v4 =	vperm.xlane v18, v59;
	v23 =	vimm.s32 $0x6  }
0x97: {  	v8 =	vperm.xlane v18, v23;
	v12 =	vperm.xlane v18, v25;
	v25 =	vld.idx.msk [tilespmem:v6+s4+$0x0], $0xffff  }
0x98: {  	v21 =	vadd.s32 v2, v13;
	v6 =	vperm.xlane v46, v23;
	v23 =	vadd.s32 v2, v16;
	v16 =	vld [tilespmem:$0x1FFF0]  }
0x99: {  	v26 =	vimm.s32 $0xA;
	v1 =	vperm.xlane v18, v60;
	v20 =	vperm.xlane v46, v35  }
0x9a: {  	v29 =	vimm.s32 $0x9;
	v30 =	vld.idx.msk [tilespmem:v19+s4+$0x0], $0xffff;
	v11 =	vperm.xlane v18, v26;
	v13 =	vperm.xlane v46, v59  }
0x9b: {  	v59 =	vperm.xlane v46, v60;
	v60 =	vperm.xlane v46, v26;
	v26 =	vld.idx.msk [tilespmem:v10+s4+$0x0], $0xffff;
	v10 =	vimm.s32 $0xC  }
0x9c: {  	s24 =	smul.u32 $0xFA0, s23;
	v19 =	vperm.xlane v46, v29;
	v24 =	vld.idx.msk [tilespmem:v17+s4+$0x0], $0xffff;
	v18 =	vperm.xlane v46, v10;
	v10 =	vimm.s32 $0xD  }
0x9d: {  	v28 =	vld.idx.msk [tilespmem:v21+s4+$0x0], $0xffff;
	v29 =	vadd.s32 v2, v16;
	v16 =	vperm.xlane v46, v10;
	v10 =	vimm.s32 $0xE  }
0x9e: {  	s31 =	simm.s32 $0x6;
	s2 =	simm.s32 $0x290;
	s29 =	sadd.s32 s5, s24;
	v31 =	vadd.s32 v2, v31;
	v7 =	vperm.xlane v46, v32;
	v21 =	vld.idx.msk [tilespmem:v15+s4+$0x0], $0xffff;
	v10 =	vperm.xlane v46, v10  }
.LBB2_3:
0x9f: {  	v15 =	vimm.s32 $0xF;
	[tilespmem:s25+$0xFFFFFF70] =	vst v25;
	v25 =	vld [tilespmem:$0x1FF60]  }
0xa0: {  	v46 =	vperm.xlane v46, v15;
	v15 =	vld [tilespmem:$0x1FF00];
	_ =	sdelay $0x4  }
0xa1: {  	v17 =	vmovc v38;
	v38 =	vmovc v18;
	v18 =	vmov v15;
	v15 =	vmov v25;
	v25 =	vmov v12;
	v12 =	vld [tilespmem:$0x1FF10]  }
0xa2: {  	[tilespmem:$0x1FF60] =	vst v25;
	v25 =	vld [tilespmem:$0x1FF70];
	_ =	sdelay $0x4  }
0xa3: {  	[tilespmem:$0x1FF00] =	vst v15;
	v15 =	vmov v12;
	v12 =	vmov v25;
	v25 =	vmov v16;
	v16 =	vld [tilespmem:$0x1FEB0];
	_ =	sdelay $0x4  }
0xa4: {  	[tilespmem:$0x1FF10] =	vst v12;
	v12 =	vmov v16;
	v16 =	vadd.s32 v2, v20;
	v20 =	vld.idx.msk [tilespmem:v27+s4+$0x0], $0xffff  }
0xa5: {  	[tilespmem:s26+$0xFFFFFFC0] =	vst v24;
	v24 =	vld [tilespmem:$0x1FF40];
	_ =	sdelay $0x1  }
0xa6: {  	v32 =	vld [tilespmem:s2+$0x0];
	[tilespmem:s28+$0x40] =	vst v22  }
0xa7: {  	[tilespmem:s30+$0x0] =	vst v30;
	v22 =	vld.idx.msk [tilespmem:v23+s4+$0x0], $0xffff  }
0xa8: {  	v23 =	vmov v40;
	v40 =	vmov v11;
	v11 =	vld.idx.msk [tilespmem:v29+s4+$0x0], $0xffff  }
0xa9: {  	[tilespmem:$0x1FF70] =	vst v25;
	v25 =	vmov v24;
	v24 =	vmov v48;
	v48 =	vmov v19;
	v19 =	vld.idx.msk [tilespmem:v31+s4+$0x0], $0xffff  }
0xaa: {  	[tilespmem:s25+$0x90] =	vst v26;
	v26 =	vld [tilespmem:$0x1FF20];
	_ =	sdelay $0x4  }
0xab: {  	v30 =	vmov v26;
	v26 =	vld [tilespmem:s2+$0xFFFFFFF0]  }
0xac: {  	[tilespmem:s30+$0xFFFFFF10] =	vst v28;
	v28 =	vld [tilespmem:$0x1FF80];
	_ =	sdelay $0x1  }
0xad: {  	[tilespmem:$0x1FEB0] =	vst v25;
	v25 =	vld [tilespmem:$0x1FFA0];
	_ =	sdelay $0x2  }
0xae: {  	v29 =	vmov v28;
	v28 =	vmov v10;
	v10 =	vld [tilespmem:$0x1FF30];
	_ =	sdelay $0x1  }
0xaf: {  	v27 =	vmov v25;
	_ =	sdelay $0x1  }
0xb0: {  	v25 =	vmov v5;
	v5 =	vld [tilespmem:$0x1FED0];
	[tilespmem:$0x1FF40] =	vst v27  }
0xb1: {  	[tilespmem:$0x1FFA0] =	vst v25;
	v25 =	vld [tilespmem:$0x1FEA0];
	v27 =	vmov v10  }
0xb2: {  	[tilespmem:$0x1FEA0] =	vst v27;
	v27 =	vld [tilespmem:$0x1FF90]  }
0xb3: {  	[tilespmem:$0x1FF80] =	vst v28;
	v28 =	vld [tilespmem:$0x1FF50]  }
0xb4: {  	[tilespmem:s26+$0xD0] =	vst v21  }
0xb5: {  	[tilespmem:$0x1FED0] =	vst v23;
	v23 =	vld [tilespmem:$0x1FEE0]  }
0xb6: {  	[tilespmem:$0x1FEE0] =	vst v24;
	v24 =	vld [tilespmem:$0x1FE90];
	v5 =	vadd.s32 v2, v5;
	v10 =	vmov v63  }
0xb7: {  	v25 =	vadd.s32 v2, v25;
	[tilespmem:$0x1FF90] =	vst v10;
	v10 =	vld.idx.msk [tilespmem:v16+s4+$0x0], $0xffff;
	v27 =	vmov v27  }
0xb8: {  	v21 =	vmov v28;
	[tilespmem:$0x1FF30] =	vst v27;
	v27 =	vld [tilespmem:$0x1FEC0]  }
0xb9: {  	v16 =	vadd.s32 v2, v55;
	[tilespmem:$0x1FEC0] =	vst v21;
	v21 =	vld [tilespmem:$0x1FFB0]  }
0xba: {  	[tilespmem:$0x1FE90] =	vst v30;
	v23 =	vadd.s32 v2, v23  }
0xbb: {  	v14 =	vadd.s32 v2, v14;
	[tilespmem:$0x1FF20] =	vst v29;
	v5 =	vld.idx.msk [tilespmem:v5+s4+$0x0], $0xffff  }
0xbc: {  	v24 =	vadd.s32 v2, v24;
	v25 =	vld.idx.msk [tilespmem:v25+s4+$0x0], $0xffff;
	[tilespmem:s28+$0x50] =	vst v11  }
0xbd: {  	v28 =	vld [tilespmem:$0x1FEF0];
	[tilespmem:s30+$0x10] =	vst v19  }
0xbe: {  	v32 =	vshll.u32 v32, $0x4;
	[tilespmem:s25+$0xFFFFFF80] =	vst v20;
	v55 =	vmov v8;
	v8 =	vld.idx.msk [tilespmem:v16+s4+$0x0], $0xffff;
	v20 =	vmov v21  }
0xbf: {  	v13 =	vadd.s32 v2, v13;
	v31 =	vperm.xlane v32, v34;
	[tilespmem:$0x1FF50] =	vst v20;
	v20 =	vld.idx.msk [tilespmem:v23+s4+$0x0], $0xffff  }
0xc0: {  	v16 =	vadd.s32 v2, v49;
	v49 =	vmov v1;
	v1 =	vld.idx.msk [tilespmem:v14+s4+$0x0], $0xffff;
	[tilespmem:s26+$0xFFFFFFD0] =	vst v22;
	v22 =	vadd.s32 v2, v36  }
0xc1: {  	v11 =	vadd.s32 v2, v37;
	[tilespmem:s25+$0xA0] =	vst v5;
	v21 =	vadd.s32 v2, v18;
	v18 =	vmov v46;
	v24 =	vld.idx.msk [tilespmem:v24+s4+$0x0], $0xffff  }
0xc2: {  	v12 =	vadd.s32 v2, v12;
	v31 =	vadd.s32 v2, v31;
	[tilespmem:$0x1FFB0] =	vst v18  }
0xc3: {  	v30 =	vadd.s32 v2, v4;
	v29 =	vadd.s32 v2, v54;
	v27 =	vadd.s32 v2, v27;
	[tilespmem:s30+$0xFFFFFF20] =	vst v10  }
0xc4: {  	v63 =	vimm.s32 $0x4;
	v28 =	vadd.s32 v2, v28;
	v14 =	vadd.s32 v2, v52;
	v19 =	vld.idx.msk [tilespmem:v13+s4+$0x0], $0xffff;
	[tilespmem:s25+$0xFFFFFF90] =	vst v20  }
0xc5: {  	v46 =	vshll.u32 v26, $0x4;
	v26 =	vadd.s32 v2, v7;
	v18 =	vadd.s32 v2, v43;
	v22 =	vld.idx.msk [tilespmem:v22+s4+$0x0], $0xffff;
	[tilespmem:s26+$0xE0] =	vst v25  }
0xc6: {  	v37 =	vimm.s32 $0x3;
	v52 =	vmovc v0;
	v23 =	vadd.s32 v2, v47;
	v4 =	vperm.xlane v46, v33;
	v0 =	vld.idx.msk [tilespmem:v11+s4+$0x0], $0xffff;
	[tilespmem:s26+$0xFFFFFFE0] =	vst v24  }
0xc7: {  	v5 =	vperm.xlane v46, v34;
	v43 =	vimm.s32 $0x5;
	v10 =	vadd.s32 v2, v51;
	v11 =	vld.idx.msk [tilespmem:v12+s4+$0x0], $0xffff;
	[tilespmem:s28+$0x60] =	vst v8  }
0xc8: {  	v54 =	vmovc v9;
	v7 =	vperm.xlane v46, v63;
	v47 =	vimm.s32 $0x6;
	v9 =	vperm.xlane v46, v43;
	[tilespmem:s30+$0x20] =	vst v1;
	v24 =	vld.idx.msk [tilespmem:v27+s4+$0x0], $0xffff  }
0xc9: {  	v51 =	vmov v6;
	v6 =	vperm.xlane v46, v47;
	v13 =	vperm.xlane v46, v37;
	v25 =	vld.idx.msk [tilespmem:v14+s4+$0x0], $0xffff  }
0xca: {  	v5 =	vadd.s32 v2, v5;
	v20 =	vperm.xlane v46, v35;
	[tilespmem:s30+$0xFFFFFF30] =	vst v19;
	v19 =	vld.idx.msk [tilespmem:v30+s4+$0x0], $0xffff  }
0xcb: {  	v12 =	vadd.s32 v2, v4;
	v8 =	vperm.xlane v32, v33;
	v26 =	vld.idx.msk [tilespmem:v26+s4+$0x0], $0xffff;
	[tilespmem:s25+$0xB0] =	vst v22  }
0xcc: {  	v4 =	vperm.xlane v32, v37;
	v33 =	vperm.xlane v32, v43;
	v10 =	vld.idx.msk [tilespmem:v10+s4+$0x0], $0xffff;
	[tilespmem:s25+$0xFFFFFFA0] =	vst v0  }
0xcd: {  	v36 =	vmovc v42;
	v14 =	vperm.xlane v32, v35;
	v30 =	vperm.xlane v32, v63;
	v0 =	vmov v39;
	[tilespmem:s26+$0xF0] =	vst v11  }
0xce: {  	v27 =	vadd.s32 v2, v8;
	v8 =	vperm.xlane v32, v47;
	v47 =	vadd.s32 v2, v3;
	[tilespmem:$0x1FEF0] =	vst v0  }
0xcf: {  	v42 =	vmovc v58;
	v3 =	vmovc v9;
	v9 =	vimm.s32 $0x7;
	v22 =	vadd.s32 v2, v62;
	v11 =	vimm.s32 $0x8;
	v18 =	vld.idx.msk [tilespmem:v18+s4+$0x0], $0xffff;
	[tilespmem:s26+$0xFFFFFFF0] =	vst v24  }
0xd0: {  	v62 =	vmovc v30;
	v30 =	vimm.s32 $0x9;
	v0 =	vperm.xlane v32, v9;
	v1 =	vperm.xlane v32, v11;
	v28 =	vld.idx.msk [tilespmem:v28+s4+$0x0], $0xffff;
	s26 =	smov.u32 s25;
	s25 =	smov.u32 s28;
	[tilespmem:s30+$0x30] =	vst v19  }
0xd1: {  	v37 =	vmov v44;
	v9 =	vperm.xlane v46, v9;
	v24 =	vperm.xlane v32, v30;
	v12 =	vld.idx.msk [tilespmem:v12+s4+$0x0], $0xffff;
	[tilespmem:s25+$0x70] =	vst v25  }
0xd2: {  	v44 =	vmovc v60;
	v63 =	vperm.xlane v46, v11;
	v19 =	vperm.xlane v46, v30;
	v25 =	vimm.s32 $0xA;
	[tilespmem:s30+$0xFFFFFF40] =	vst v26;
	v34 =	vld.idx.msk [tilespmem:v16+s4+$0x0], $0xffff  }
0xd3: {  	v43 =	vmovc v41;
	v41 =	vmovc v57;
	v26 =	vadd.s32 v2, v45;
	v11 =	vperm.xlane v32, v25;
	v16 =	vimm.s32 $0xB;
	v35 =	vld.idx.msk [tilespmem:v47+s4+$0x0], $0xffff  }
0xd4: {  	s31 =	sadd.s32 $0x2, s31;
	v39 =	vmovc v53;
	[tilespmem:s25+$0xFFFFFF60] =	vst v10;
	v60 =	vperm.xlane v46, v25;
	v10 =	vimm.s32 $0xC;
	v22 =	vld.idx.msk [tilespmem:v22+s4+$0x0], $0xffff;
	v58 =	vperm.xlane v32, v16  }
0xd5: {  	p1 =	slt.u32 s31, $0x7A;
	v45 =	vmov v56;
	v53 =	vperm.xlane v32, v10;
	v25 =	vld.idx.msk [tilespmem:v29+s4+$0x0], $0xffff;
	v57 =	vperm.xlane v46, v16;
	[tilespmem:s26+$0xFFFFFFB0] =	vst v18  }
.Ltmp0:
0xd6: {  	s28 =	smov.u32 s30;
	s30 =	sadd.s32 $0x200, s30;
	v56 =	vmovc v24;
	v29 =	vadd.s32 v2, v61;
	v18 =	vperm.xlane v46, v10;
	[tilespmem:s26+$0xC0] =	vst v28;
	v10 =	vimm.s32 $0xD;
	v24 =	vld.idx.msk [tilespmem:v23+s4+$0x0], $0xffff;
	(pc) =	sbr.rel @p1 .LBB2_3-.Ltmp0, $4  }
0xd7: {  	v61 =	vmovc v33;
	v33 =	vimm.s32 $0x0;
	[tilespmem:s30+$0xFFFFFF00] =	vst v12;
	v30 =	vld.idx.msk [tilespmem:v27+s4+$0x0], $0xffff;
	v12 =	vperm.xlane v32, v10;
	v27 =	vadd.s32 v2, v50  }
0xd8: {  	v16 =	vperm.xlane v46, v10;
	v23 =	vadd.s32 v2, v15;
	v28 =	vld.idx.msk [tilespmem:v5+s4+$0x0], $0xffff;
	[tilespmem:s25+$0x80] =	vst v34;
	v5 =	vimm.s32 $0xE  }
0xd9: {  	v50 =	vmovc v59;
	v59 =	vmovc v63;
	v10 =	vperm.xlane v46, v5;
	v63 =	vperm.xlane v32, v5;
	v26 =	vld.idx.msk [tilespmem:v26+s4+$0x0], $0xffff;
	v5 =	vimm.s32 $0xF  }
0xda: {  	s2 =	sadd.s32 $0x20, s2;
	v47 =	vmovc v17;
	v34 =	vimm.s32 $0x1;
	[tilespmem:s28+$0xFFFFFF50] =	vst v35;
	v35 =	vimm.s32 $0x2;
	v21 =	vld.idx.msk [tilespmem:v21+s4+$0x0], $0xffff;
	v5 =	vperm.xlane v32, v5  }
0xdb: {  	_ =	sdelay $0x2  }
0xdc: {  	[tilespmem:s30+$0x0] =	vst v30  }
0xdd: {  	v17 =	vadd.s32 v2, v20;
	v15 =	vld.idx.msk [tilespmem:v31+s4+$0x0], $0xffff  }
0xde: {  	v14 =	vadd.s32 v2, v14;
	_ =	sdelay $0x2  }
0xdf: {  	[tilespmem:s30+$0xFFFFFF10] =	vst v28  }
0xe0: {  	[tilespmem:s30+$0x10] =	vst v15;
	v15 =	vld.idx.msk [tilespmem:v17+s4+$0x0], $0xffff  }
0xe1: {  	v13 =	vadd.s32 v2, v13;
	v14 =	vld.idx.msk [tilespmem:v14+s4+$0x0], $0xffff  }
0xe2: {  	v4 =	vadd.s32 v2, v4;
	_ =	sdelay $0x2  }
0xe3: {  	[tilespmem:s30+$0xFFFFFF20] =	vst v15  }
0xe4: {  	[tilespmem:s30+$0x20] =	vst v14;
	v13 =	vld.idx.msk [tilespmem:v13+s4+$0x0], $0xffff  }
0xe5: {  	v7 =	vadd.s32 v2, v7;
	v4 =	vld.idx.msk [tilespmem:v4+s4+$0x0], $0xffff  }
0xe6: {  	v14 =	vadd.s32 v2, v62;
	_ =	sdelay $0x2  }
0xe7: {  	[tilespmem:s30+$0xFFFFFF30] =	vst v13  }
0xe8: {  	[tilespmem:s30+$0x30] =	vst v4;
	v7 =	vld.idx.msk [tilespmem:v7+s4+$0x0], $0xffff  }
0xe9: {  	[tilespmem:s28+$0x40] =	vst v22;
	v4 =	vld.idx.msk [tilespmem:v14+s4+$0x0], $0xffff  }
0xea: {  	v3 =	vadd.s32 v2, v3;
	v14 =	vld.idx.msk [tilespmem:v29+s4+$0x0], $0xffff  }
0xeb: {  	[tilespmem:s25+$0xFFFFFF70] =	vst v25  }
0xec: {  	[tilespmem:s26+$0xFFFFFFC0] =	vst v24;
	v13 =	vadd.s32 v2, v61  }
0xed: {  	[tilespmem:s30+$0xFFFFFF40] =	vst v7  }
0xee: {  	[tilespmem:s30+$0x40] =	vst v4  }
0xef: {  	v7 =	vadd.s32 v2, v51;
	v3 =	vld.idx.msk [tilespmem:v3+s4+$0x0], $0xffff;
	[tilespmem:s28+$0x50] =	vst v14  }
0xf0: {  	v4 =	vadd.s32 v2, v55;
	v14 =	vld [tilespmem:$0x1FED0]  }
0xf1: {  	v6 =	vadd.s32 v2, v6;
	v13 =	vld.idx.msk [tilespmem:v13+s4+$0x0], $0xffff  }
0xf2: {  	v8 =	vadd.s32 v2, v8  }
0xf3: {  	v15 =	vld.idx.msk [tilespmem:v27+s4+$0x0], $0xffff  }
0xf4: {  	[tilespmem:s25+$0x90] =	vst v26;
	v7 =	vld.idx.msk [tilespmem:v7+s4+$0x0], $0xffff  }
0xf5: {  	v4 =	vld.idx.msk [tilespmem:v4+s4+$0x0], $0xffff;
	[tilespmem:s30+$0xFFFFFF50] =	vst v3;
	v14 =	vadd.s32 v2, v14  }
0xf6: {  	[tilespmem:s30+$0x50] =	vst v13;
	v6 =	vld.idx.msk [tilespmem:v6+s4+$0x0], $0xffff  }
0xf7: {  	[tilespmem:s26+$0xD0] =	vst v21;
	v3 =	vld.idx.msk [tilespmem:v8+s4+$0x0], $0xffff  }
0xf8: {  	[tilespmem:s25+$0xFFFFFF80] =	vst v15;
	v8 =	vld.idx.msk [tilespmem:v23+s4+$0x0], $0xffff  }
0xf9: {  	v17 =	vadd.s32 v2, v52;
	v15 =	vld [tilespmem:$0x1FEE0]  }
0xfa: {  	v13 =	vadd.s32 v2, v54;
	[tilespmem:s28+$0x60] =	vst v4;
	v14 =	vld.idx.msk [tilespmem:v14+s4+$0x0], $0xffff  }
0xfb: {  	v4 =	vld [tilespmem:$0x1FEA0];
	[tilespmem:s28+$0xFFFFFF60] =	vst v7  }
0xfc: {  	v0 =	vadd.s32 v2, v0;
	[tilespmem:s30+$0xFFFFFF60] =	vst v6  }
0xfd: {  	v9 =	vadd.s32 v2, v9;
	[tilespmem:s30+$0x60] =	vst v3  }
0xfe: {  	v17 =	vld.idx.msk [tilespmem:v17+s4+$0x0], $0xffff;
	v15 =	vadd.s32 v2, v15;
	[tilespmem:s26+$0xFFFFFFD0] =	vst v8  }
0xff: {  	v7 =	vadd.s32 v2, v49;
	v13 =	vld.idx.msk [tilespmem:v13+s4+$0x0], $0xffff;
	[tilespmem:s25+$0xA0] =	vst v14  }
0x100: {  	v4 =	vadd.s32 v2, v4;
	v14 =	vld [tilespmem:$0x1FE90]  }
0x101: {  	v3 =	vadd.s32 v2, v50;
	v0 =	vld.idx.msk [tilespmem:v0+s4+$0x0], $0xffff  }
0x102: {  	v1 =	vadd.s32 v2, v1;
	v6 =	vld.idx.msk [tilespmem:v9+s4+$0x0], $0xffff  }
0x103: {  	v9 =	vadd.s32 v2, v59;
	v8 =	vld.idx.msk [tilespmem:v15+s4+$0x0], $0xffff;
	[tilespmem:s28+$0x70] =	vst v17  }
0x104: {  	v15 =	vadd.s32 v2, v36;
	v7 =	vld.idx.msk [tilespmem:v7+s4+$0x0], $0xffff  }
0x105: {  	[tilespmem:s28+$0xFFFFFF70] =	vst v13;
	v4 =	vld.idx.msk [tilespmem:v4+s4+$0x0], $0xffff;
	v14 =	vadd.s32 v2, v14  }
0x106: {  	v3 =	vld.idx.msk [tilespmem:v3+s4+$0x0], $0xffff;
	[tilespmem:s30+$0x70] =	vst v0  }
0x107: {  	[tilespmem:s30+$0xFFFFFF70] =	vst v6;
	v1 =	vld.idx.msk [tilespmem:v1+s4+$0x0], $0xffff  }
0x108: {  	[tilespmem:s25+$0xFFFFFF90] =	vst v8;
	v8 =	vld.idx.msk [tilespmem:v9+s4+$0x0], $0xffff  }
0x109: {  	v13 =	vadd.s32 v2, v45;
	v15 =	vld.idx.msk [tilespmem:v15+s4+$0x0], $0xffff;
	[tilespmem:s28+$0x80] =	vst v7  }
0x10a: {  	[tilespmem:s26+$0xE0] =	vst v4;
	v9 =	vld.idx.msk [tilespmem:v14+s4+$0x0], $0xffff;
	v14 =	vadd.s32 v2, v37  }
0x10b: {  	v7 =	vld [tilespmem:$0x1FEB0];
	[tilespmem:s28+$0xFFFFFF80] =	vst v3  }
0x10c: {  	v0 =	vadd.s32 v2, v48;
	[tilespmem:s30+$0x80] =	vst v1  }
0x10d: {  	v6 =	vadd.s32 v2, v56;
	[tilespmem:s30+$0xFFFFFF80] =	vst v8  }
0x10e: {  	v13 =	vld.idx.msk [tilespmem:v13+s4+$0x0], $0xffff;
	v4 =	vadd.s32 v2, v19;
	[tilespmem:s25+$0xB0] =	vst v15  }
0x10f: {  	[tilespmem:s26+$0xFFFFFFE0] =	vst v9;
	v9 =	vld.idx.msk [tilespmem:v14+s4+$0x0], $0xffff  }
0x110: {  	v7 =	vadd.s32 v2, v7;
	v14 =	vld [tilespmem:$0x1FEC0]  }
0x111: {  	v0 =	vld.idx.msk [tilespmem:v0+s4+$0x0], $0xffff  }
0x112: {  	v3 =	vadd.s32 v2, v40;
	v6 =	vld.idx.msk [tilespmem:v6+s4+$0x0], $0xffff  }
0x113: {  	v1 =	vadd.s32 v2, v44;
	v4 =	vld.idx.msk [tilespmem:v4+s4+$0x0], $0xffff  }
0x114: {  	v8 =	vadd.s32 v2, v11;
	v11 =	vadd.s32 v2, v60  }
0x115: {  	[tilespmem:s28+$0x90] =	vst v13;
	v7 =	vld.idx.msk [tilespmem:v7+s4+$0x0], $0xffff;
	v14 =	vadd.s32 v2, v14  }
0x116: {  	[tilespmem:s28+$0xFFFFFF90] =	vst v0  }
0x117: {  	[tilespmem:s30+$0x90] =	vst v6;
	v3 =	vld.idx.msk [tilespmem:v3+s4+$0x0], $0xffff  }
0x118: {  	v1 =	vld.idx.msk [tilespmem:v1+s4+$0x0], $0xffff;
	[tilespmem:s30+$0xFFFFFF90] =	vst v4  }
0x119: {  	v13 =	vadd.s32 v2, v43;
	[tilespmem:s25+$0xFFFFFFA0] =	vst v9;
	v9 =	vld.idx.msk [tilespmem:v11+s4+$0x0], $0xffff  }
0x11a: {  	[tilespmem:s26+$0xF0] =	vst v7;
	v11 =	vld.idx.msk [tilespmem:v14+s4+$0x0], $0xffff  }
0x11b: {  	v0 =	vadd.s32 v2, v42;
	v14 =	vld [tilespmem:$0x1FEF0]  }
0x11c: {  	v6 =	vadd.s32 v2, v41;
	v8 =	vld.idx.msk [tilespmem:v8+s4+$0x0], $0xffff  }
0x11d: {  	v4 =	vadd.s32 v2, v58  }
0x11e: {  	v13 =	vld.idx.msk [tilespmem:v13+s4+$0x0], $0xffff;
	v7 =	vadd.s32 v2, v57  }
0x11f: {  	[tilespmem:s28+$0xA0] =	vst v3;
	v3 =	vadd.s32 v2, v47  }
0x120: {  	[tilespmem:s28+$0xFFFFFFA0] =	vst v1;
	v0 =	vld.idx.msk [tilespmem:v0+s4+$0x0], $0xffff;
	v14 =	vadd.s32 v2, v14  }
0x121: {  	[tilespmem:s30+$0xA0] =	vst v8;
	v6 =	vld.idx.msk [tilespmem:v6+s4+$0x0], $0xffff  }
0x122: {  	[tilespmem:s30+$0xFFFFFFA0] =	vst v9;
	v4 =	vld.idx.msk [tilespmem:v4+s4+$0x0], $0xffff  }
0x123: {  	v1 =	vadd.s32 v2, v39;
	[tilespmem:s25+$0xFFFFFFB0] =	vst v13;
	v7 =	vld.idx.msk [tilespmem:v7+s4+$0x0], $0xffff  }
0x124: {  	v3 =	vld.idx.msk [tilespmem:v3+s4+$0x0], $0xffff  }
0x125: {  	v8 =	vadd.s32 v2, v38;
	[tilespmem:s26+$0xFFFFFFF0] =	vst v11;
	v11 =	vld.idx.msk [tilespmem:v14+s4+$0x0], $0xffff  }
0x126: {  	v14 =	vld [tilespmem:$0x1FF00];
	[tilespmem:s28+$0xB0] =	vst v0  }
0x127: {  	v9 =	vadd.s32 v2, v53;
	v0 =	vld [tilespmem:$0x1FF10]  }
0x128: {  	v1 =	vld.idx.msk [tilespmem:v1+s4+$0x0], $0xffff;
	[tilespmem:s28+$0xFFFFFFB0] =	vst v6  }
0x129: {  	v13 =	vadd.s32 v2, v18;
	v6 =	vld [tilespmem:$0x1FF60]  }
0x12a: {  	v8 =	vld.idx.msk [tilespmem:v8+s4+$0x0], $0xffff;
	[tilespmem:s30+$0xB0] =	vst v4  }
0x12b: {  	v4 =	vld [tilespmem:$0x1FF70]  }
0x12c: {  	v9 =	vld.idx.msk [tilespmem:v9+s4+$0x0], $0xffff;
	[tilespmem:s30+$0xFFFFFFB0] =	vst v7  }
0x12d: {  	[tilespmem:s25+$0xFFFFFFC0] =	vst v3  }
0x12e: {  	v14 =	vadd.s32 v2, v14;
	[tilespmem:s25+$0xC0] =	vst v11;
	v11 =	vld.idx.msk [tilespmem:v13+s4+$0x0], $0xffff  }
0x12f: {  	v0 =	vadd.s32 v2, v0;
	v13 =	vld [tilespmem:$0x1FF30];
	[tilespmem:s28+$0xC0] =	vst v1  }
0x130: {  	v7 =	vadd.s32 v2, v12;
	v1 =	vld [tilespmem:$0x1FF20];
	[tilespmem:s28+$0xFFFFFFC0] =	vst v8  }
0x131: {  	v6 =	vadd.s32 v2, v6;
	v8 =	vld [tilespmem:$0x1FF90];
	[tilespmem:s30+$0xC0] =	vst v9  }
0x132: {  	v3 =	vadd.s32 v2, v16;
	v9 =	vld [tilespmem:$0x1FF80]  }
0x133: {  	v4 =	vadd.s32 v2, v4;
	v12 =	vld.idx.msk [tilespmem:v14+s4+$0x0], $0xffff  }
0x134: {  	v0 =	vld.idx.msk [tilespmem:v0+s4+$0x0], $0xffff;
	v13 =	vadd.s32 v2, v13  }
0x135: {  	v7 =	vld.idx.msk [tilespmem:v7+s4+$0x0], $0xffff  }
0x136: {  	[tilespmem:s30+$0xFFFFFFC0] =	vst v11;
	v1 =	vadd.s32 v2, v1;
	v6 =	vld.idx.msk [tilespmem:v6+s4+$0x0], $0xffff  }
0x137: {  	v3 =	vld.idx.msk [tilespmem:v3+s4+$0x0], $0xffff  }
0x138: {  	v4 =	vld.idx.msk [tilespmem:v4+s4+$0x0], $0xffff;
	v8 =	vadd.s32 v2, v8;
	[tilespmem:s25+$0xD0] =	vst v12  }
0x139: {  	[tilespmem:s25+$0xFFFFFFD0] =	vst v0;
	v0 =	vld.idx.msk [tilespmem:v13+s4+$0x0], $0xffff  }
0x13a: {  	v12 =	vld [tilespmem:$0x1FF40]  }
0x13b: {  	v11 =	vadd.s32 v2, v63;
	v1 =	vld.idx.msk [tilespmem:v1+s4+$0x0], $0xffff;
	[tilespmem:s28+$0xD0] =	vst v6  }
0x13c: {  	v6 =	vld [tilespmem:$0x1FF50]  }
0x13d: {  	[tilespmem:s28+$0xFFFFFFD0] =	vst v4;
	v4 =	vld.idx.msk [tilespmem:v8+s4+$0x0], $0xffff  }
0x13e: {  	v9 =	vadd.s32 v2, v9;
	v8 =	vld [tilespmem:$0x1FFA0];
	[tilespmem:s30+$0xD0] =	vst v7  }
0x13f: {  	v10 =	vadd.s32 v2, v10;
	v13 =	vld [tilespmem:$0x1FFB0]  }
0x140: {  	[tilespmem:s30+$0xFFFFFFD0] =	vst v3;
	v3 =	vld.idx.msk [tilespmem:v11+s4+$0x0], $0xffff;
	v12 =	vadd.s32 v2, v12  }
0x141: {  	[tilespmem:s25+$0xE0] =	vst v0;
	v0 =	vadd.s32 v2, v5  }
0x142: {  	v49 =	vimm.s32 $0xF;
	v6 =	vadd.s32 v2, v6  }
0x143: {  	v9 =	vld.idx.msk [tilespmem:v9+s4+$0x0], $0xffff;
	v7 =	vperm.xlane v46, v49;
	v8 =	vadd.s32 v2, v8  }
0x144: {  	v5 =	vld.idx.msk [tilespmem:v10+s4+$0x0], $0xffff;
	[tilespmem:s25+$0xFFFFFFE0] =	vst v1;
	v13 =	vadd.s32 v2, v13  }
0x145: {  	v7 =	vadd.s32 v2, v7;
	[tilespmem:s30+$0xE0] =	vst v3;
	v1 =	vld.idx.msk [tilespmem:v12+s4+$0x0], $0xffff  }
0x146: {  	v0 =	vld.idx.msk [tilespmem:v0+s4+$0x0], $0xffff  }
0x147: {  	[tilespmem:s28+$0xE0] =	vst v4;
	v6 =	vld.idx.msk [tilespmem:v6+s4+$0x0], $0xffff  }
0x148: {  	[tilespmem:s28+$0xFFFFFFE0] =	vst v9;
	v4 =	vld.idx.msk [tilespmem:v8+s4+$0x0], $0xffff  }
0x149: {  	[tilespmem:s30+$0xFFFFFFE0] =	vst v5;
	v8 =	vld.idx.msk [tilespmem:v13+s4+$0x0], $0xffff  }
0x14a: {  	[tilespmem:s25+$0xF0] =	vst v1;
	v1 =	vld.idx.msk [tilespmem:v7+s4+$0x0], $0xffff  }
0x14b: {  	[tilespmem:s30+$0xF0] =	vst v0  }
0x14c: {  	[tilespmem:s25+$0xFFFFFFF0] =	vst v6  }
0x14d: {  	[tilespmem:s28+$0xF0] =	vst v4  }
0x14e: {  	[tilespmem:s28+$0xFFFFFFF0] =	vst v8  }
0x14f: {  	[tilespmem:s30+$0xFFFFFFF0] =	vst v1  }
0x150: {  	v0 =	vld [tilespmem:$0x9C0];
	_ =	sdelay $0x4  }
0x151: {  	v0 =	vshll.u32 v0, $0x4  }
0x152: {  	v1 =	vperm.xlane v0, v33;
	_ =	sdelay $0x1  }
0x153: {  	v1 =	vadd.s32 v2, v1;
	_ =	sdelay $0x3  }
0x154: {  	v3 =	vperm.xlane v0, v34  }
0x155: {  	v1 =	vld.idx.msk [tilespmem:v1+s4+$0x0], $0xffff  }
0x156: {  	v3 =	vadd.s32 v2, v3;
	_ =	sdelay $0x3  }
0x157: {  	[tilespmem:$0x8E00] =	vst v1  }
0x158: {  	v1 =	vperm.xlane v0, v35;
	v3 =	vld.idx.msk [tilespmem:v3+s4+$0x0], $0xffff;
	_ =	sdelay $0x1  }
0x159: {  	v1 =	vadd.s32 v2, v1;
	_ =	sdelay $0x2  }
0x15a: {  	[tilespmem:$0x8E10] =	vst v3;
	v3 =	vimm.s32 $0x3  }
0x15b: {  	v3 =	vperm.xlane v0, v3  }
0x15c: {  	v1 =	vld.idx.msk [tilespmem:v1+s4+$0x0], $0xffff  }
0x15d: {  	v3 =	vadd.s32 v2, v3;
	_ =	sdelay $0x3  }
0x15e: {  	[tilespmem:$0x8E20] =	vst v1;
	v1 =	vimm.s32 $0x4  }
0x15f: {  	v1 =	vperm.xlane v0, v1;
	v3 =	vld.idx.msk [tilespmem:v3+s4+$0x0], $0xffff;
	_ =	sdelay $0x1  }
0x160: {  	v1 =	vadd.s32 v2, v1;
	_ =	sdelay $0x2  }
0x161: {  	[tilespmem:$0x8E30] =	vst v3;
	v3 =	vimm.s32 $0x5  }
0x162: {  	v3 =	vperm.xlane v0, v3  }
0x163: {  	v1 =	vld.idx.msk [tilespmem:v1+s4+$0x0], $0xffff  }
0x164: {  	v3 =	vadd.s32 v2, v3;
	_ =	sdelay $0x3  }
0x165: {  	[tilespmem:$0x8E40] =	vst v1;
	v1 =	vimm.s32 $0x6  }
0x166: {  	v1 =	vperm.xlane v0, v1;
	v3 =	vld.idx.msk [tilespmem:v3+s4+$0x0], $0xffff;
	_ =	sdelay $0x1  }
0x167: {  	v1 =	vadd.s32 v2, v1;
	_ =	sdelay $0x2  }
0x168: {  	[tilespmem:$0x8E50] =	vst v3;
	v3 =	vimm.s32 $0x7  }
0x169: {  	v3 =	vperm.xlane v0, v3  }
0x16a: {  	v1 =	vld.idx.msk [tilespmem:v1+s4+$0x0], $0xffff  }
0x16b: {  	v3 =	vadd.s32 v2, v3;
	_ =	sdelay $0x3  }
0x16c: {  	v59 =	vimm.s32 $0x8;
	[tilespmem:$0x8E60] =	vst v1  }
0x16d: {  	v1 =	vperm.xlane v0, v59;
	v3 =	vld.idx.msk [tilespmem:v3+s4+$0x0], $0xffff;
	_ =	sdelay $0x1  }
0x16e: {  	v1 =	vadd.s32 v2, v1;
	_ =	sdelay $0x2  }
0x16f: {  	[tilespmem:$0x8E70] =	vst v3;
	v3 =	vimm.s32 $0x9  }
0x170: {  	v3 =	vperm.xlane v0, v3  }
0x171: {  	v1 =	vld.idx.msk [tilespmem:v1+s4+$0x0], $0xffff  }
0x172: {  	v3 =	vadd.s32 v2, v3;
	_ =	sdelay $0x2  }
0x173: {  	v60 =	vimm.s32 $0xA  }
0x174: {  	[tilespmem:$0x8E80] =	vst v1;
	v1 =	vperm.xlane v0, v60  }
0x175: {  	v3 =	vld.idx.msk [tilespmem:v3+s4+$0x0], $0xffff  }
0x176: {  	v1 =	vadd.s32 v2, v1;
	_ =	sdelay $0x3  }
0x177: {  	[tilespmem:$0x8E90] =	vst v3;
	v3 =	vimm.s32 $0xB  }
0x178: {  	v3 =	vperm.xlane v0, v3;
	v1 =	vld.idx.msk [tilespmem:v1+s4+$0x0], $0xffff;
	_ =	sdelay $0x1  }
0x179: {  	v3 =	vadd.s32 v2, v3;
	_ =	sdelay $0x2  }
0x17a: {  	[tilespmem:$0x8EA0] =	vst v1;
	v1 =	vimm.s32 $0xC  }
0x17b: {  	v1 =	vperm.xlane v0, v1  }
0x17c: {  	v3 =	vld.idx.msk [tilespmem:v3+s4+$0x0], $0xffff  }
0x17d: {  	v1 =	vadd.s32 v2, v1;
	_ =	sdelay $0x3  }
0x17e: {  	[tilespmem:$0x8EB0] =	vst v3;
	v3 =	vimm.s32 $0xD  }
0x17f: {  	v3 =	vperm.xlane v0, v3;
	v1 =	vld.idx.msk [tilespmem:v1+s4+$0x0], $0xffff;
	_ =	sdelay $0x1  }
0x180: {  	v3 =	vadd.s32 v2, v3;
	_ =	sdelay $0x2  }
0x181: {  	[tilespmem:$0x8EC0] =	vst v1;
	v1 =	vimm.s32 $0xE  }
0x182: {  	v1 =	vperm.xlane v0, v1  }
0x183: {  	v3 =	vld.idx.msk [tilespmem:v3+s4+$0x0], $0xffff  }
0x184: {  	v1 =	vadd.s32 v2, v1;
	_ =	sdelay $0x3  }
0x185: {  	v0 =	vperm.xlane v0, v49;
	[tilespmem:$0x8ED0] =	vst v3  }
0x186: {  	v1 =	vld.idx.msk [tilespmem:v1+s4+$0x0], $0xffff  }
0x187: {  	v0 =	vadd.s32 v2, v0;
	_ =	sdelay $0x3  }
0x188: {  	[tilespmem:$0x8EE0] =	vst v1  }
0x189: {  	v0 =	vld.idx.msk [tilespmem:v0+s4+$0x0], $0xffff;
	_ =	sdelay $0x1  }
0x18a: {  	p1 =	seq.s32 s23, $0x18  }
0x18b: {  	s2 =	sadd.s32 @!p1 s24, s10  }
0x18c: {  	s2 =	sshrl.u32 @!p1 s2, $0x3  }
0x18d: {  	s2 =	sadd.s32 @!p1 s1, s2;
	s26 =	simm.s32 @!p1 $0x200;
	s25 =	simm.s32 @!p1 $0x0;
	[tilespmem:$0x8EF0] =	vst v0  }
0x18e: {  	[tilespmem:s26], [sflag:$0x1] =	stream.linear.gather @!p1 [hbm4b:s2+s25], $0x7D0, $0x38;
	[tilespmem:$0x10C00] =	vst v63  }
0x18f: {  	s25 =	sshll.u32 s29, $0x1  }
0x190: {  	s2 =	sadd.s32 s3, s25  }
0x191: {  	[hbm4b:s2+s4] =	stream.linear.scatter [tilespmem:s17], [sflag:$0x3], $0x7D00, $0x38;
	[tilespmem:$0x10C00] =	vst v63  }
0x192: {  	_ =	swait.ge [sflag:s18], $0x7D0  }
0x193: {  	[sflag:s18] =	ssyncset.done $0x0  }
0x194: {  	s2 =	simm.s32 @!p0 $0x4;
	[sflag:s18] =	ssyncadd.s32 $0xFFFFF830  }
0x195: {  	_ =	swait.ge @!p0 [sflag:s2], $0x7D00  }
0x196: {  	[sflag:s2] =	ssyncset.done @!p0 $0x0  }
0x197: {  	s26 =	simm.s32 $0xA10;
	[sflag:s2] =	ssyncadd.s32 @!p0 $0xFFFF8300  }
0x198: {  	v0 =	vld [tilespmem:s26+$0x0];
	_ =	sdelay $0x1  }
0x199: {  	v1 =	vld [tilespmem:s26+$0xFFFFFFF0];
	_ =	sdelay $0x2  }
0x19a: {  	v5 =	vshll.u32 v0, $0x4  }
0x19b: {  	v0 =	vperm.xlane v5, v33  }
0x19c: {  	v6 =	vshll.u32 v1, $0x4  }
0x19d: {  	v1 =	vperm.xlane v6, v33;
	v0 =	vadd.s32 v2, v0;
	_ =	sdelay $0x1  }
0x19e: {  	v1 =	vadd.s32 v2, v1;
	_ =	sdelay $0x1  }
0x19f: {  	v3 =	vperm.xlane v5, v34  }
0x1a0: {  	v0 =	vld.idx.msk [tilespmem:v0+s4+$0x0], $0xffff  }
0x1a1: {  	v4 =	vperm.xlane v6, v34;
	v3 =	vadd.s32 v2, v3  }
0x1a2: {  	v1 =	vld.idx.msk [tilespmem:v1+s4+$0x0], $0xffff  }
0x1a3: {  	v4 =	vadd.s32 v2, v4  }
0x1a4: {  	s26 =	simm.s32 $0x9000  }
0x1a5: {  	v7 =	vperm.xlane v5, v35;
	[tilespmem:s26+$0x0] =	vst v0  }
0x1a6: {  	v0 =	vld.idx.msk [tilespmem:v3+s4+$0x0], $0xffff  }
0x1a7: {  	[tilespmem:s26+$0xFFFFFF00] =	vst v1;
	v1 =	vadd.s32 v2, v7;
	v3 =	vperm.xlane v6, v35  }
0x1a8: {  	v4 =	vld.idx.msk [tilespmem:v4+s4+$0x0], $0xffff  }
0x1a9: {  	v3 =	vadd.s32 v2, v3  }
0x1aa: {  	s25 =	simm.s32 $0xA30  }
0x1ab: {  	v9 =	vld [tilespmem:s25+$0x0];
	[tilespmem:s26+$0x10] =	vst v0  }
0x1ac: {  	v0 =	vld.idx.msk [tilespmem:v1+s4+$0x0], $0xffff  }
0x1ad: {  	v10 =	vimm.s32 $0x3;
	v7 =	vld [tilespmem:s25+$0xFFFFFFF0];
	[tilespmem:s26+$0xFFFFFF10] =	vst v4  }
0x1ae: {  	v8 =	vperm.xlane v5, v10;
	v3 =	vld.idx.msk [tilespmem:v3+s4+$0x0], $0xffff;
	_ =	sdelay $0x1  }
0x1af: {  	v17 =	vshll.u32 v9, $0x4;
	v1 =	vadd.s32 v2, v8;
	v8 =	vperm.xlane v6, v10  }
0x1b0: {  	[tilespmem:s26+$0x20] =	vst v0;
	v0 =	vperm.xlane v17, v33  }
0x1b1: {  	v15 =	vshll.u32 v7, $0x4;
	v8 =	vadd.s32 v2, v8  }
0x1b2: {  	v12 =	vimm.s32 $0x4;
	v4 =	vperm.xlane v15, v33;
	[tilespmem:s26+$0xFFFFFF20] =	vst v3;
	v3 =	vadd.s32 v2, v0  }
0x1b3: {  	v18 =	vimm.s32 $0x6;
	v14 =	vimm.s32 $0x5;
	v7 =	vperm.xlane v5, v12  }
0x1b4: {  	v9 =	vimm.s32 $0x7;
	v11 =	vperm.xlane v6, v14;
	v4 =	vadd.s32 v2, v4;
	v1 =	vld.idx.msk [tilespmem:v1+s4+$0x0], $0xffff  }
0x1b5: {  	v13 =	vperm.xlane v6, v18;
	v16 =	vperm.xlane v5, v14;
	v21 =	vadd.s32 v2, v7  }
0x1b6: {  	v18 =	vperm.xlane v5, v18;
	v19 =	vperm.xlane v5, v9;
	v8 =	vld.idx.msk [tilespmem:v8+s4+$0x0], $0xffff  }
0x1b7: {  	v20 =	vperm.xlane v5, v59;
	v22 =	vperm.xlane v6, v9;
	v28 =	vld.idx.msk [tilespmem:v3+s4+$0x0], $0xffff;
	v3 =	vimm.s32 $0xD  }
0x1b8: {  	v24 =	vperm.xlane v6, v59;
	v29 =	vperm.xlane v5, v3  }
0x1b9: {  	v10 =	vperm.xlane v6, v12;
	v25 =	vld.idx.msk [tilespmem:v4+s4+$0x0], $0xffff;
	[tilespmem:s26+$0x30] =	vst v1;
	v3 =	vperm.xlane v6, v3  }
0x1ba: {  	v9 =	vperm.xlane v6, v60;
	v27 =	vperm.xlane v17, v34;
	v21 =	vld.idx.msk [tilespmem:v21+s4+$0x0], $0xffff;
	[tilespmem:$0x1FE50] =	vst v29  }
0x1bb: {  	v7 =	vimm.s32 $0x9;
	v10 =	vadd.s32 v2, v10;
	[tilespmem:$0x1FE70] =	vst v3;
	v3 =	vimm.s32 $0xE  }
0x1bc: {  	v0 =	vperm.xlane v15, v34;
	[tilespmem:s26+$0xFFFFFF30] =	vst v8;
	v8 =	vadd.s32 v2, v27;
	v27 =	vperm.xlane v6, v3  }
0x1bd: {  	v12 =	vperm.xlane v5, v60;
	v23 =	vperm.xlane v5, v7;
	v4 =	vimm.s32 $0xB  }
0x1be: {  	s25 =	simm.s32 $0x9200;
	v14 =	vperm.xlane v6, v7;
	v7 =	vperm.xlane v5, v4;
	v26 =	vadd.s32 v2, v0;
	[tilespmem:$0x1FD10] =	vst v27  }
0x1bf: {  	v4 =	vperm.xlane v6, v4;
	v0 =	vimm.s32 $0xC;
	[tilespmem:s25+$0xFFFFFF00] =	vst v25;
	v25 =	vperm.xlane v5, v3  }
0x1c0: {  	v16 =	vadd.s32 v2, v16;
	v1 =	vperm.xlane v5, v0;
	v5 =	vperm.xlane v5, v49  }
0x1c1: {  	v0 =	vperm.xlane v6, v0;
	v6 =	vperm.xlane v6, v49;
	v10 =	vld.idx.msk [tilespmem:v10+s4+$0x0], $0xffff;
	[tilespmem:$0x1FD20] =	vst v25  }
0x1c2: {  	v27 =	vperm.xlane v15, v35;
	[tilespmem:$0x1FD30] =	vst v5  }
0x1c3: {  	v5 =	vadd.s32 v2, v11;
	v25 =	vld.idx.msk [tilespmem:v26+s4+$0x0], $0xffff;
	[tilespmem:$0x1FD40] =	vst v6  }
0x1c4: {  	v6 =	vadd.s32 v2, v27;
	[tilespmem:s26+$0x40] =	vst v21  }
0x1c5: {  	s2 =	simm.s32 $0xA50;
	v3 =	vimm.s32 $0x3;
	v16 =	vld.idx.msk [tilespmem:v16+s4+$0x0], $0xffff  }
0x1c6: {  	v55 =	vimm.s32 $0x9;
	v30 =	vperm.xlane v17, v3;
	[tilespmem:s25+$0x0] =	vst v28;
	v62 =	vld [tilespmem:s2+$0xFFFFFFF0]  }
0x1c7: {  	v26 =	vperm.xlane v15, v3;
	v3 =	vperm.xlane v17, v55;
	v29 =	vld.idx.msk [tilespmem:v8+s4+$0x0], $0xffff;
	[tilespmem:s26+$0xFFFFFF40] =	vst v10  }
0x1c8: {  	v18 =	vadd.s32 v2, v18;
	v50 =	vld.idx.msk [tilespmem:v5+s4+$0x0], $0xffff;
	[tilespmem:s25+$0xFFFFFF10] =	vst v25  }
0x1c9: {  	v27 =	vperm.xlane v17, v35;
	v51 =	vld.idx.msk [tilespmem:v6+s4+$0x0], $0xffff;
	[tilespmem:$0x1FE40] =	vst v3  }
0x1ca: {  	[tilespmem:s26+$0x50] =	vst v16;
	v16 =	vperm.xlane v15, v59  }
0x1cb: {  	v27 =	vadd.s32 v2, v27  }
0x1cc: {  	v52 =	vld [tilespmem:s2+$0x0];
	[tilespmem:$0x1FE60] =	vst v16  }
0x1cd: {  	v16 =	vld.idx.msk [tilespmem:v18+s4+$0x0], $0xffff;
	v18 =	vadd.s32 v2, v13;
	v13 =	vperm.xlane v17, v60  }
0x1ce: {  	[tilespmem:s25+$0x10] =	vst v29  }
0x1cf: {  	v29 =	vperm.xlane v15, v55;
	[tilespmem:$0x1FD50] =	vst v13  }
0x1d0: {  	v57 =	vimm.s32 $0xC;
	v26 =	vadd.s32 v2, v26;
	v27 =	vld.idx.msk [tilespmem:v27+s4+$0x0], $0xffff  }
0x1d1: {  	v53 =	vperm.xlane v17, v57;
	[tilespmem:$0x1FD60] =	vst v29  }
0x1d2: {  	v19 =	vadd.s32 v2, v19;
	[tilespmem:s25+$0xFFFFFF20] =	vst v51  }
0x1d3: {  	v54 =	vimm.s32 $0xD;
	v56 =	vimm.s32 $0xB;
	[tilespmem:$0x1FD70] =	vst v53  }
0x1d4: {  	v36 =	vperm.xlane v17, v56;
	v43 =	vperm.xlane v15, v56;
	v29 =	vadd.s32 v2, v30;
	[tilespmem:s26+$0xFFFFFF50] =	vst v50  }
0x1d5: {  	v8 =	vimm.s32 $0x0;
	v13 =	vshll.u32 v62, $0x4;
	v26 =	vld.idx.msk [tilespmem:v26+s4+$0x0], $0xffff;
	[tilespmem:s25+$0x20] =	vst v27;
	v27 =	vperm.xlane v17, v54  }
0x1d6: {  	v30 =	vperm.xlane v13, v8;
	[tilespmem:s26+$0x60] =	vst v16;
	v16 =	vld.idx.msk [tilespmem:v18+s4+$0x0], $0xffff;
	v18 =	vadd.s32 v2, v22;
	v22 =	vshll.u32 v52, $0x4  }
0x1d7: {  	v31 =	vimm.s32 $0x4;
	v19 =	vld.idx.msk [tilespmem:v19+s4+$0x0], $0xffff;
	[tilespmem:$0x1FD80] =	vst v27;
	v27 =	vperm.xlane v22, v8;
	v8 =	vperm.xlane v15, v54  }
0x1d8: {  	v56 =	vimm.s32 $0xE;
	v21 =	vperm.xlane v15, v31;
	v30 =	vadd.s32 v2, v30  }
0x1d9: {  	v29 =	vld.idx.msk [tilespmem:v29+s4+$0x0], $0xffff;
	[tilespmem:$0x1FD90] =	vst v8;
	v8 =	vperm.xlane v15, v56  }
0x1da: {  	v61 =	vimm.s32 $0x6;
	v37 =	vperm.xlane v15, v60;
	v21 =	vadd.s32 v2, v21  }
0x1db: {  	v58 =	vimm.s32 $0x5;
	v47 =	vperm.xlane v15, v57;
	[tilespmem:$0x1FDA0] =	vst v8;
	v8 =	vperm.xlane v17, v56  }
0x1dc: {  	v20 =	vadd.s32 v2, v20;
	v34 =	vperm.xlane v17, v58;
	v35 =	vperm.xlane v17, v61;
	[tilespmem:s25+$0xFFFFFF30] =	vst v26  }
0x1dd: {  	v26 =	vadd.s32 v2, v27;
	v27 =	vld.idx.msk [tilespmem:v30+s4+$0x0], $0xffff;
	[tilespmem:$0x1FDB0] =	vst v8;
	v8 =	vperm.xlane v17, v49  }
0x1de: {  	v32 =	vimm.s32 $0x1;
	v28 =	vperm.xlane v15, v58;
	v31 =	vperm.xlane v17, v31;
	[tilespmem:s26+$0xFFFFFF60] =	vst v16  }
0x1df: {  	v55 =	vperm.xlane v13, v32;
	v21 =	vld.idx.msk [tilespmem:v21+s4+$0x0], $0xffff;
	[tilespmem:$0x1FDC0] =	vst v8;
	v8 =	vperm.xlane v15, v49  }
0x1e0: {  	v10 =	vperm.xlane v17, v59;
	v31 =	vadd.s32 v2, v31;
	v5 =	vimm.s32 $0x7;
	[tilespmem:s26+$0x70] =	vst v19  }
0x1e1: {  	v25 =	vperm.xlane v17, v5;
	v30 =	vadd.s32 v2, v55;
	v17 =	vld.idx.msk [tilespmem:v18+s4+$0x0], $0xffff;
	[tilespmem:$0x1FDD0] =	vst v8  }
0x1e2: {  	v11 =	vperm.xlane v15, v61;
	v6 =	vperm.xlane v15, v5;
	v18 =	vadd.s32 v2, v24;
	v15 =	vld.idx.msk [tilespmem:v20+s4+$0x0], $0xffff  }
0x1e3: {  	s28 =	simm.s32 $0x9400;
	v16 =	vadd.s32 v2, v28;
	[tilespmem:s25+$0x30] =	vst v29  }
0x1e4: {  	[tilespmem:s28+$0xFFFFFF00] =	vst v27;
	v26 =	vld.idx.msk [tilespmem:v26+s4+$0x0], $0xffff  }
0x1e5: {  	v23 =	vadd.s32 v2, v23;
	v20 =	vperm.xlane v22, v32;
	v24 =	vld.idx.msk [tilespmem:v31+s4+$0x0], $0xffff;
	[tilespmem:s25+$0xFFFFFF40] =	vst v21  }
0x1e6: {  	v63 =	vimm.s32 $0x2;
	v27 =	vadd.s32 v2, v34;
	v21 =	vld.idx.msk [tilespmem:v30+s4+$0x0], $0xffff;
	[tilespmem:s26+$0xFFFFFF70] =	vst v17  }
0x1e7: {  	v19 =	vperm.xlane v13, v63;
	v8 =	vimm.s32 $0x3;
	v20 =	vadd.s32 v2, v20;
	[tilespmem:s26+$0x80] =	vst v15;
	v15 =	vld.idx.msk [tilespmem:v18+s4+$0x0], $0xffff  }
0x1e8: {  	v14 =	vadd.s32 v2, v14;
	v3 =	vimm.s32 $0x5;
	v28 =	vperm.xlane v13, v8;
	v16 =	vld.idx.msk [tilespmem:v16+s4+$0x0], $0xffff  }
0x1e9: {  	v17 =	vadd.s32 v2, v19;
	v18 =	vperm.xlane v22, v8;
	[tilespmem:s28+$0x0] =	vst v26;
	v8 =	vperm.xlane v22, v3  }
0x1ea: {  	v23 =	vld.idx.msk [tilespmem:v23+s4+$0x0], $0xffff;
	[tilespmem:s25+$0x40] =	vst v24  }
0x1eb: {  	v26 =	vld.idx.msk [tilespmem:v27+s4+$0x0], $0xffff;
	[tilespmem:$0x1FE80] =	vst v8  }
0x1ec: {  	v12 =	vadd.s32 v2, v12;
	v19 =	vperm.xlane v22, v63;
	v20 =	vld.idx.msk [tilespmem:v20+s4+$0x0], $0xffff;
	[tilespmem:s26+$0xFFFFFF80] =	vst v15  }
0x1ed: {  	v31 =	vimm.s32 $0x4;
	[tilespmem:s28+$0xFFFFFF10] =	vst v21;
	v21 =	vadd.s32 v2, v35;
	v14 =	vld.idx.msk [tilespmem:v14+s4+$0x0], $0xffff  }
0x1ee: {  	v29 =	vperm.xlane v13, v31;
	v19 =	vadd.s32 v2, v19;
	v8 =	vimm.s32 $0x7;
	v17 =	vld.idx.msk [tilespmem:v17+s4+$0x0], $0xffff  }
0x1ef: {  	v9 =	vadd.s32 v2, v9;
	s2 =	simm.s32 $0xA70;
	v24 =	vperm.xlane v22, v31;
	v52 =	vperm.xlane v22, v8;
	[tilespmem:s26+$0x90] =	vst v23  }
0x1f0: {  	v54 =	vperm.xlane v13, v8;
	v31 =	vld [tilespmem:s2+$0xFFFFFFF0];
	v8 =	vimm.s32 $0x9;
	v15 =	vadd.s32 v2, v28;
	[tilespmem:s25+$0x50] =	vst v26  }
0x1f1: {  	v45 =	vperm.xlane v22, v8;
	v48 =	vperm.xlane v13, v8;
	v8 =	vimm.s32 $0xC;
	v12 =	vld.idx.msk [tilespmem:v12+s4+$0x0], $0xffff;
	[tilespmem:s28+$0x10] =	vst v20  }
0x1f2: {  	v7 =	vadd.s32 v2, v7;
	v39 =	vperm.xlane v22, v8;
	v20 =	vld.idx.msk [tilespmem:v21+s4+$0x0], $0xffff;
	[tilespmem:s26+$0xFFFFFF90] =	vst v14;
	v14 =	vimm.s32 $0xD  }
0x1f3: {  	v38 =	vperm.xlane v13, v8;
	v21 =	vimm.s32 $0xB;
	[tilespmem:s28+$0xFFFFFF20] =	vst v17;
	v17 =	vld.idx.msk [tilespmem:v19+s4+$0x0], $0xffff;
	v8 =	vperm.xlane v22, v14  }
0x1f4: {  	v42 =	vperm.xlane v22, v21;
	v41 =	vperm.xlane v13, v21;
	v21 =	vld [tilespmem:s2+$0x0]  }
0x1f5: {  	v15 =	vld.idx.msk [tilespmem:v15+s4+$0x0], $0xffff;
	[tilespmem:$0x1FDE0] =	vst v8  }
0x1f6: {  	v8 =	vperm.xlane v13, v14;
	[tilespmem:s26+$0xA0] =	vst v12  }
0x1f7: {  	v19 =	vadd.s32 v2, v25;
	v9 =	vld.idx.msk [tilespmem:v9+s4+$0x0], $0xffff;
	[tilespmem:s25+$0x60] =	vst v20  }
0x1f8: {  	v7 =	vld.idx.msk [tilespmem:v7+s4+$0x0], $0xffff;
	[tilespmem:$0x1FDF0] =	vst v8  }
0x1f9: {  	v18 =	vadd.s32 v2, v18;
	[tilespmem:s28+$0x20] =	vst v17;
	v17 =	vimm.s32 $0xE  }
0x1fa: {  	v8 =	vperm.xlane v13, v17  }
0x1fb: {  	v23 =	vadd.s32 v2, v29  }
0x1fc: {  	v33 =	vimm.s32 $0x0;
	v46 =	vshll.u32 v31, $0x4;
	v14 =	vld.idx.msk [tilespmem:v19+s4+$0x0], $0xffff;
	[tilespmem:$0x1FE00] =	vst v8;
	v8 =	vperm.xlane v22, v17  }
0x1fd: {  	v12 =	vperm.xlane v46, v33;
	v17 =	vimm.s32 $0xF;
	[tilespmem:s28+$0xFFFFFF30] =	vst v15  }
0x1fe: {  	v11 =	vadd.s32 v2, v11;
	v15 =	vld.idx.msk [tilespmem:v18+s4+$0x0], $0xffff;
	[tilespmem:$0x1FE10] =	vst v8;
	v8 =	vperm.xlane v22, v17  }
0x1ff: {  	v12 =	vadd.s32 v2, v12;
	[tilespmem:s25+$0xFFFFFF50] =	vst v16  }
0x200: {  	v4 =	vadd.s32 v2, v4;
	v16 =	vld.idx.msk [tilespmem:v23+s4+$0x0], $0xffff;
	[tilespmem:$0x1FE20] =	vst v8;
	v8 =	vperm.xlane v13, v17  }
0x201: {  	v1 =	vadd.s32 v2, v1  }
0x202: {  	v10 =	vadd.s32 v2, v10;
	v30 =	vperm.xlane v13, v3;
	[tilespmem:$0x1FE30] =	vst v8  }
0x203: {  	v11 =	vld.idx.msk [tilespmem:v11+s4+$0x0], $0xffff;
	[tilespmem:s26+$0xFFFFFFA0] =	vst v9  }
0x204: {  	v57 =	vimm.s32 $0x6;
	v6 =	vadd.s32 v2, v6;
	v19 =	vadd.s32 v2, v30;
	[tilespmem:s26+$0xB0] =	vst v7;
	v12 =	vld.idx.msk [tilespmem:v12+s4+$0x0], $0xffff  }
0x205: {  	v58 =	vimm.s32 $0x9;
	v44 =	vperm.xlane v13, v60;
	v51 =	vperm.xlane v13, v57;
	[tilespmem:s25+$0x70] =	vst v14;
	v7 =	vld.idx.msk [tilespmem:v4+s4+$0x0], $0xffff  }
0x206: {  	v5 =	vimm.s32 $0xD;
	v50 =	vperm.xlane v13, v59;
	v40 =	vperm.xlane v22, v60;
	[tilespmem:s28+$0x30] =	vst v15;
	v20 =	vld.idx.msk [tilespmem:v1+s4+$0x0], $0xffff  }
0x207: {  	v55 =	vperm.xlane v22, v57;
	v57 =	vimm.s32 $0xB;
	v49 =	vperm.xlane v22, v59;
	v10 =	vld.idx.msk [tilespmem:v10+s4+$0x0], $0xffff;
	[tilespmem:s28+$0xFFFFFF40] =	vst v16  }
0x208: {  	s30 =	simm.s32 $0x9600;
	v34 =	vimm.s32 $0x1;
	v32 =	vimm.s32 $0xB;
	v3 =	vimm.s32 $0xE;
	[tilespmem:s25+$0xFFFFFF60] =	vst v11  }
0x209: {  	v27 =	vimm.s32 $0x9;
	v35 =	vimm.s32 $0x2;
	v28 =	vimm.s32 $0x4;
	v16 =	vld.idx.msk [tilespmem:v19+s4+$0x0], $0xffff;
	[tilespmem:s30+$0xFFFFFF00] =	vst v12  }
0x20a: {  	v29 =	vimm.s32 $0x6;
	v31 =	vimm.s32 $0x7;
	v57 =	vperm.xlane v46, v57;
	[tilespmem:s26+$0xFFFFFFB0] =	vst v7  }
0x20b: {  	v17 =	vadd.s32 v2, v0;
	v0 =	vperm.xlane v46, v34;
	v13 =	vshll.u32 v21, $0x4;
	[tilespmem:s26+$0xC0] =	vst v20  }
0x20c: {  	v30 =	vimm.s32 $0x5;
	v18 =	vperm.xlane v13, v33;
	v21 =	vperm.xlane v13, v34;
	[tilespmem:s25+$0x80] =	vst v10  }
0x20d: {  	v62 =	vperm.xlane v13, v28;
	v19 =	vadd.s32 v2, v0;
	v0 =	vperm.xlane v13, v3;
	v3 =	vld [tilespmem:$0x1FE40]  }
0x20e: {  	v61 =	vperm.xlane v13, v30;
	v63 =	vperm.xlane v13, v31;
	v15 =	vadd.s32 v2, v24;
	v7 =	vld [tilespmem:$0x1FE50];
	[tilespmem:s28+$0xFFFFFF50] =	vst v16  }
0x20f: {  	v25 =	vimm.s32 $0xC;
	v56 =	vperm.xlane v13, v58;
	v58 =	vperm.xlane v13, v32;
	v16 =	vld [tilespmem:$0x1FE70]  }
0x210: {  	v26 =	vimm.s32 $0x3;
	v53 =	vperm.xlane v13, v25;
	v14 =	vperm.xlane v13, v35  }
0x211: {  	v23 =	vimm.s32 $0xF;
	v9 =	vperm.xlane v13, v29;
	v4 =	vperm.xlane v13, v26  }
0x212: {  	v18 =	vadd.s32 v2, v18;
	v1 =	vperm.xlane v13, v59;
	v59 =	vperm.xlane v46, v59;
	v10 =	vld [tilespmem:$0x1FE60]  }
0x213: {  	v11 =	vperm.xlane v13, v60;
	v12 =	vperm.xlane v13, v5;
	v22 =	vld.idx.msk [tilespmem:v15+s4+$0x0], $0xffff;
	v8 =	vadd.s32 v2, v7  }
0x214: {  	v5 =	vperm.xlane v13, v23;
	v13 =	vperm.xlane v46, v26;
	v23 =	vadd.s32 v2, v16;
	v16 =	vld [tilespmem:$0x1FE80]  }
0x215: {  	v60 =	vperm.xlane v46, v60;
	v20 =	vperm.xlane v46, v35;
	v25 =	vld.idx.msk [tilespmem:v6+s4+$0x0], $0xffff;
	v15 =	vadd.s32 v2, v3  }
0x216: {  	v32 =	vimm.s32 $0xC;
	v6 =	vperm.xlane v46, v29;
	v24 =	vld.idx.msk [tilespmem:v17+s4+$0x0], $0xffff;
	v7 =	vperm.xlane v46, v28  }
0x217: {  	v3 =	vperm.xlane v46, v30;
	v28 =	vld.idx.msk [tilespmem:v19+s4+$0x0], $0xffff;
	v19 =	vperm.xlane v46, v27;
	v26 =	vadd.s32 v2, v10  }
0x218: {  	v10 =	vperm.xlane v46, v31;
	v31 =	vadd.s32 v2, v21;
	v21 =	vld.idx.msk [tilespmem:v8+s4+$0x0], $0xffff;
	v8 =	vimm.s32 $0xD  }
0x219: {  	v30 =	vld.idx.msk [tilespmem:v18+s4+$0x0], $0xffff;
	v29 =	vadd.s32 v2, v16;
	v16 =	vperm.xlane v46, v8;
	v8 =	vimm.s32 $0xE  }
0x21a: {  	s31 =	simm.s32 $0x6;
	s29 =	sadd.s32 s24, s7;
	s2 =	simm.s32 $0xA90;
	v18 =	vperm.xlane v46, v32;
	v27 =	vld.idx.msk [tilespmem:v15+s4+$0x0], $0xffff;
	v8 =	vperm.xlane v46, v8  }
.LBB2_5:
0x21b: {  	v15 =	vimm.s32 $0xF  }
0x21c: {  	v46 =	vperm.xlane v46, v15;
	v15 =	vld [tilespmem:$0x1FD80]  }
0x21d: {  	[tilespmem:s25+$0xFFFFFF70] =	vst v25;
	v25 =	vld [tilespmem:$0x1FDE0];
	_ =	sdelay $0x4  }
0x21e: {  	v17 =	vmovc v38;
	v38 =	vmovc v18;
	v18 =	vmov v15;
	v15 =	vmov v25;
	v25 =	vmov v12;
	v12 =	vld [tilespmem:$0x1FD90]  }
0x21f: {  	[tilespmem:$0x1FDE0] =	vst v25;
	v25 =	vld [tilespmem:$0x1FDF0];
	_ =	sdelay $0x4  }
0x220: {  	[tilespmem:$0x1FD80] =	vst v15;
	v15 =	vmov v12;
	v12 =	vmov v25;
	v25 =	vmov v16;
	v16 =	vld [tilespmem:$0x1FD30];
	_ =	sdelay $0x4  }
0x221: {  	[tilespmem:$0x1FD90] =	vst v12;
	v12 =	vmov v16;
	v16 =	vadd.s32 v2, v20;
	v20 =	vld.idx.msk [tilespmem:v26+s4+$0x0], $0xffff  }
0x222: {  	[tilespmem:s26+$0xFFFFFFC0] =	vst v24;
	v24 =	vld [tilespmem:$0x1FDC0];
	_ =	sdelay $0x4  }
0x223: {  	[tilespmem:$0x1FDF0] =	vst v25;
	v25 =	vmov v24  }
0x224: {  	[tilespmem:$0x1FD30] =	vst v25;
	v25 =	vld [tilespmem:$0x1FE20];
	_ =	sdelay $0x4  }
0x225: {  	v26 =	vmov v25  }
0x226: {  	[tilespmem:$0x1FDC0] =	vst v26;
	v26 =	vld [tilespmem:$0x1FDA0];
	_ =	sdelay $0x2  }
0x227: {  	v32 =	vld [tilespmem:s2+$0x0]  }
0x228: {  	[tilespmem:s28+$0x40] =	vst v22;
	v22 =	vld.idx.msk [tilespmem:v23+s4+$0x0], $0xffff  }
0x229: {  	[tilespmem:s30+$0x0] =	vst v30;
	v30 =	vmov v26;
	v26 =	vld [tilespmem:s2+$0xFFFFFFF0]  }
0x22a: {  	[tilespmem:s30+$0xFFFFFF10] =	vst v28;
	v28 =	vld [tilespmem:$0x1FE00];
	_ =	sdelay $0x3  }
0x22b: {  	v23 =	vmov v40;
	v40 =	vmov v11;
	v11 =	vld.idx.msk [tilespmem:v29+s4+$0x0], $0xffff  }
0x22c: {  	v29 =	vmov v28;
	v28 =	vmov v8;
	v8 =	vld [tilespmem:$0x1FDB0];
	_ =	sdelay $0x2  }
0x22d: {  	v24 =	vmov v48;
	v48 =	vmov v19;
	v19 =	vld.idx.msk [tilespmem:v31+s4+$0x0], $0xffff  }
0x22e: {  	[tilespmem:s25+$0x90] =	vst v27;
	v25 =	vmov v5;
	v5 =	vld [tilespmem:$0x1FD50]  }
0x22f: {  	[tilespmem:$0x1FE20] =	vst v25;
	v25 =	vld [tilespmem:$0x1FD20];
	v27 =	vmov v8  }
0x230: {  	[tilespmem:$0x1FD20] =	vst v27;
	v27 =	vld [tilespmem:$0x1FE10];
	_ =	sdelay $0x2  }
0x231: {  	v5 =	vadd.s32 v2, v5  }
0x232: {  	[tilespmem:s26+$0xD0] =	vst v21;
	v25 =	vadd.s32 v2, v25  }
0x233: {  	[tilespmem:$0x1FD50] =	vst v23;
	v23 =	vld [tilespmem:$0x1FD60];
	v27 =	vmov v27  }
0x234: {  	[tilespmem:$0x1FDB0] =	vst v27;
	v27 =	vld [tilespmem:$0x1FDD0]  }
0x235: {  	[tilespmem:$0x1FD60] =	vst v24;
	v24 =	vld [tilespmem:$0x1FD10]  }
0x236: {  	v5 =	vld.idx.msk [tilespmem:v5+s4+$0x0], $0xffff  }
0x237: {  	v25 =	vld.idx.msk [tilespmem:v25+s4+$0x0], $0xffff  }
0x238: {  	[tilespmem:$0x1FD10] =	vst v30;
	v8 =	vmov v0;
	v0 =	vld.idx.msk [tilespmem:v16+s4+$0x0], $0xffff  }
0x239: {  	[tilespmem:s28+$0x50] =	vst v11;
	v16 =	vld [tilespmem:$0x1FD40];
	v21 =	vmov v27  }
0x23a: {  	[tilespmem:$0x1FD40] =	vst v21;
	v21 =	vld [tilespmem:$0x1FE30]  }
0x23b: {  	v23 =	vadd.s32 v2, v23;
	[tilespmem:s30+$0x10] =	vst v19  }
0x23c: {  	[tilespmem:$0x1FDA0] =	vst v29  }
0x23d: {  	v24 =	vadd.s32 v2, v24;
	[tilespmem:$0x1FE00] =	vst v28  }
0x23e: {  	[tilespmem:$0x1FE10] =	vst v8;
	v8 =	vadd.s32 v2, v55  }
0x23f: {  	v14 =	vadd.s32 v2, v14;
	v13 =	vadd.s32 v2, v13;
	v32 =	vshll.u32 v32, $0x4;
	[tilespmem:s25+$0xFFFFFF80] =	vst v20;
	v20 =	vmovc v21  }
0x240: {  	v12 =	vadd.s32 v2, v12;
	v31 =	vperm.xlane v32, v34;
	[tilespmem:$0x1FDD0] =	vst v20;
	v20 =	vld.idx.msk [tilespmem:v23+s4+$0x0], $0xffff  }
0x241: {  	v27 =	vld [tilespmem:$0x1FD70];
	v21 =	vadd.s32 v2, v18;
	v18 =	vmov v46;
	[tilespmem:s26+$0xFFFFFFD0] =	vst v22;
	v22 =	vadd.s32 v2, v36  }
0x242: {  	v31 =	vadd.s32 v2, v31;
	v11 =	vadd.s32 v2, v37;
	[tilespmem:$0x1FE30] =	vst v18;
	v24 =	vld.idx.msk [tilespmem:v24+s4+$0x0], $0xffff  }
0x243: {  	v30 =	vadd.s32 v2, v4;
	v19 =	vadd.s32 v2, v49;
	v8 =	vld.idx.msk [tilespmem:v8+s4+$0x0], $0xffff;
	[tilespmem:s30+$0xFFFFFF20] =	vst v0  }
0x244: {  	v49 =	vmov v1;
	v1 =	vadd.s32 v2, v51;
	v16 =	vadd.s32 v2, v16;
	v0 =	vld.idx.msk [tilespmem:v14+s4+$0x0], $0xffff;
	[tilespmem:s25+$0xA0] =	vst v5  }
0x245: {  	v28 =	vadd.s32 v2, v54;
	v29 =	vadd.s32 v2, v7;
	v46 =	vshll.u32 v26, $0x4;
	v26 =	vld.idx.msk [tilespmem:v13+s4+$0x0], $0xffff;
	[tilespmem:s25+$0xFFFFFF90] =	vst v20  }
0x246: {  	v55 =	vmov v9;
	v9 =	vadd.s32 v2, v52;
	v27 =	vadd.s32 v2, v27;
	v22 =	vld.idx.msk [tilespmem:v22+s4+$0x0], $0xffff;
	[tilespmem:s26+$0xE0] =	vst v25  }
0x247: {  	v52 =	vmovc v63;
	v63 =	vimm.s32 $0x4;
	v18 =	vadd.s32 v2, v43;
	v23 =	vadd.s32 v2, v47;
	v11 =	vld.idx.msk [tilespmem:v11+s4+$0x0], $0xffff;
	[tilespmem:s26+$0xFFFFFFE0] =	vst v24  }
0x248: {  	v4 =	vperm.xlane v46, v33;
	v7 =	vperm.xlane v46, v63;
	v12 =	vld.idx.msk [tilespmem:v12+s4+$0x0], $0xffff;
	[tilespmem:s28+$0x60] =	vst v8  }
0x249: {  	v51 =	vmovc v6;
	v43 =	vimm.s32 $0x5;
	v47 =	vimm.s32 $0x6;
	v5 =	vperm.xlane v46, v34;
	[tilespmem:s30+$0x20] =	vst v0;
	v8 =	vld.idx.msk [tilespmem:v16+s4+$0x0], $0xffff  }
0x24a: {  	v37 =	vimm.s32 $0x3;
	v54 =	vmovc v10;
	v10 =	vperm.xlane v46, v43;
	v6 =	vperm.xlane v46, v47;
	[tilespmem:s30+$0xFFFFFF30] =	vst v26;
	v25 =	vld.idx.msk [tilespmem:v30+s4+$0x0], $0xffff  }
0x24b: {  	v36 =	vmovc v42;
	v14 =	vperm.xlane v32, v35;
	v13 =	vperm.xlane v46, v37;
	v30 =	vld.idx.msk [tilespmem:v1+s4+$0x0], $0xffff;
	v1 =	vmov v39  }
0x24c: {  	v20 =	vperm.xlane v46, v35;
	v35 =	vadd.s32 v2, v3;
	v24 =	vadd.s32 v2, v4;
	[tilespmem:$0x1FD70] =	vst v1  }
0x24d: {  	v42 =	vmov v58;
	v4 =	vperm.xlane v32, v37;
	v16 =	vperm.xlane v32, v33;
	v0 =	vld.idx.msk [tilespmem:v9+s4+$0x0], $0xffff;
	[tilespmem:s25+$0xB0] =	vst v22  }
0x24e: {  	v3 =	vmovc v10;
	v10 =	vimm.s32 $0x7;
	v26 =	vperm.xlane v32, v63;
	v33 =	vperm.xlane v32, v43;
	v29 =	vld.idx.msk [tilespmem:v29+s4+$0x0], $0xffff;
	[tilespmem:s25+$0xFFFFFFA0] =	vst v11  }
0x24f: {  	v5 =	vadd.s32 v2, v5;
	v9 =	vperm.xlane v32, v47;
	v63 =	vperm.xlane v32, v10;
	[tilespmem:s26+$0xF0] =	vst v12  }
0x250: {  	v37 =	vmov v44;
	v10 =	vperm.xlane v46, v10;
	v22 =	vadd.s32 v2, v62;
	v18 =	vld.idx.msk [tilespmem:v18+s4+$0x0], $0xffff;
	[tilespmem:s26+$0xFFFFFFF0] =	vst v8  }
0x251: {  	v44 =	vmovc v60;
	v16 =	vadd.s32 v2, v16;
	v62 =	vmovc v26;
	v26 =	vimm.s32 $0x9;
	v11 =	vimm.s32 $0x8;
	v12 =	vld.idx.msk [tilespmem:v27+s4+$0x0], $0xffff;
	s26 =	smov.u32 s25;
	s25 =	smov.u32 s28;
	[tilespmem:s30+$0x30] =	vst v25  }
0x252: {  	v60 =	vimm.s32 $0xA;
	v43 =	vmovc v41;
	v1 =	vperm.xlane v32, v11;
	v8 =	vld.idx.msk [tilespmem:v24+s4+$0x0], $0xffff;
	v24 =	vperm.xlane v32, v26;
	[tilespmem:s25+$0x70] =	vst v0  }
0x253: {  	v41 =	vmov v57;
	v0 =	vperm.xlane v46, v11;
	v11 =	vperm.xlane v32, v60;
	[tilespmem:s30+$0xFFFFFF40] =	vst v29;
	v27 =	vld.idx.msk [tilespmem:v19+s4+$0x0], $0xffff  }
0x254: {  	v47 =	vmovc v17;
	v39 =	vmovc v53;
	v29 =	vimm.s32 $0xB;
	v60 =	vperm.xlane v46, v60;
	v19 =	vperm.xlane v46, v26;
	v34 =	vld.idx.msk [tilespmem:v35+s4+$0x0], $0xffff  }
0x255: {  	s31 =	sadd.s32 $0x2, s31;
	v17 =	vimm.s32 $0xE;
	v58 =	vperm.xlane v32, v29;
	[tilespmem:s25+$0xFFFFFF60] =	vst v30;
	v35 =	vadd.s32 v2, v45;
	v45 =	vmovc v56;
	v22 =	vld.idx.msk [tilespmem:v22+s4+$0x0], $0xffff  }
0x256: {  	p0 =	slt.u32 s31, $0x7A;
	v26 =	vimm.s32 $0xC;
	v57 =	vperm.xlane v46, v29;
	v29 =	vadd.s32 v2, v61;
	v61 =	vmovc v33;
	v25 =	vld.idx.msk [tilespmem:v28+s4+$0x0], $0xffff;
	[tilespmem:s26+$0xFFFFFFB0] =	vst v18  }
.Ltmp1:
0x257: {  	s28 =	smov.u32 s30;
	s30 =	sadd.s32 $0x200, s30;
	v33 =	vimm.s32 $0x0;
	v53 =	vperm.xlane v32, v26;
	v56 =	vmovc v24;
	v18 =	vperm.xlane v46, v26;
	[tilespmem:s26+$0xC0] =	vst v12;
	v24 =	vld.idx.msk [tilespmem:v23+s4+$0x0], $0xffff;
	(pc) =	sbr.rel @p0 .LBB2_5-.Ltmp1, $4  }
0x258: {  	v26 =	vadd.s32 v2, v50;
	v50 =	vmovc v59;
	[tilespmem:s30+$0xFFFFFF00] =	vst v8;
	v30 =	vld.idx.msk [tilespmem:v16+s4+$0x0], $0xffff;
	v8 =	vimm.s32 $0xD;
	v23 =	vadd.s32 v2, v15  }
0x259: {  	v59 =	vmovc v0;
	v0 =	vimm.s32 $0xE;
	v12 =	vperm.xlane v32, v8;
	v28 =	vld.idx.msk [tilespmem:v5+s4+$0x0], $0xffff;
	v16 =	vperm.xlane v46, v8;
	[tilespmem:s25+$0x80] =	vst v27  }
0x25a: {  	v8 =	vperm.xlane v46, v0;
	v0 =	vperm.xlane v32, v0;
	v5 =	vimm.s32 $0xF;
	v27 =	vld.idx.msk [tilespmem:v35+s4+$0x0], $0xffff  }
0x25b: {  	s2 =	sadd.s32 $0x20, s2;
	[tilespmem:s28+$0xFFFFFF50] =	vst v34;
	v34 =	vimm.s32 $0x1;
	v35 =	vimm.s32 $0x2;
	v5 =	vperm.xlane v32, v5;
	v21 =	vld.idx.msk [tilespmem:v21+s4+$0x0], $0xffff  }
0x25c: {  	_ =	sdelay $0x2  }
0x25d: {  	[tilespmem:s30+$0x0] =	vst v30  }
0x25e: {  	v20 =	vadd.s32 v2, v20;
	v15 =	vld.idx.msk [tilespmem:v31+s4+$0x0], $0xffff  }
0x25f: {  	v14 =	vadd.s32 v2, v14;
	_ =	sdelay $0x2  }
0x260: {  	[tilespmem:s30+$0xFFFFFF10] =	vst v28  }
0x261: {  	[tilespmem:s30+$0x10] =	vst v15;
	v15 =	vld.idx.msk [tilespmem:v20+s4+$0x0], $0xffff  }
0x262: {  	v13 =	vadd.s32 v2, v13;
	v14 =	vld.idx.msk [tilespmem:v14+s4+$0x0], $0xffff  }
0x263: {  	v4 =	vadd.s32 v2, v4;
	_ =	sdelay $0x2  }
0x264: {  	[tilespmem:s30+$0xFFFFFF20] =	vst v15  }
0x265: {  	[tilespmem:s30+$0x20] =	vst v14;
	v13 =	vld.idx.msk [tilespmem:v13+s4+$0x0], $0xffff  }
0x266: {  	v7 =	vadd.s32 v2, v7;
	v4 =	vld.idx.msk [tilespmem:v4+s4+$0x0], $0xffff  }
0x267: {  	v14 =	vadd.s32 v2, v62;
	_ =	sdelay $0x2  }
0x268: {  	[tilespmem:s30+$0xFFFFFF30] =	vst v13  }
0x269: {  	[tilespmem:s30+$0x30] =	vst v4;
	v7 =	vld.idx.msk [tilespmem:v7+s4+$0x0], $0xffff  }
0x26a: {  	v3 =	vadd.s32 v2, v3;
	[tilespmem:s28+$0x40] =	vst v22;
	v4 =	vld.idx.msk [tilespmem:v14+s4+$0x0], $0xffff  }
0x26b: {  	v14 =	vld.idx.msk [tilespmem:v29+s4+$0x0], $0xffff  }
0x26c: {  	[tilespmem:s25+$0xFFFFFF70] =	vst v25;
	v13 =	vadd.s32 v2, v61  }
0x26d: {  	[tilespmem:s26+$0xFFFFFFC0] =	vst v24  }
0x26e: {  	v32 =	vadd.s32 v2, v55;
	[tilespmem:s30+$0xFFFFFF40] =	vst v7  }
0x26f: {  	[tilespmem:s30+$0x40] =	vst v4;
	v3 =	vld.idx.msk [tilespmem:v3+s4+$0x0], $0xffff  }
0x270: {  	[tilespmem:s28+$0x50] =	vst v14;
	v14 =	vld.idx.msk [tilespmem:v26+s4+$0x0], $0xffff  }
0x271: {  	v55 =	vadd.s32 v2, v51;
	[tilespmem:s25+$0x90] =	vst v27;
	v13 =	vld.idx.msk [tilespmem:v13+s4+$0x0], $0xffff  }
0x272: {  	v15 =	vld [tilespmem:$0x1FD50]  }
0x273: {  	v4 =	vld.idx.msk [tilespmem:v32+s4+$0x0], $0xffff  }
0x274: {  	[tilespmem:s26+$0xD0] =	vst v21  }
0x275: {  	v6 =	vadd.s32 v2, v6;
	[tilespmem:s30+$0xFFFFFF50] =	vst v3  }
0x276: {  	v9 =	vadd.s32 v2, v9;
	v7 =	vld.idx.msk [tilespmem:v55+s4+$0x0], $0xffff;
	[tilespmem:s25+$0xFFFFFF80] =	vst v14  }
0x277: {  	[tilespmem:s30+$0x50] =	vst v13  }
0x278: {  	v14 =	vld.idx.msk [tilespmem:v23+s4+$0x0], $0xffff;
	v15 =	vadd.s32 v2, v15;
	[tilespmem:s28+$0x60] =	vst v4  }
0x279: {  	v13 =	vadd.s32 v2, v52;
	v4 =	vld [tilespmem:$0x1FD60]  }
0x27a: {  	v6 =	vld.idx.msk [tilespmem:v6+s4+$0x0], $0xffff  }
0x27b: {  	v3 =	vadd.s32 v2, v54;
	v9 =	vld.idx.msk [tilespmem:v9+s4+$0x0], $0xffff;
	[tilespmem:s28+$0xFFFFFF60] =	vst v7  }
0x27c: {  	v10 =	vadd.s32 v2, v10;
	v7 =	vld [tilespmem:$0x1FD20]  }
0x27d: {  	v61 =	vadd.s32 v2, v63;
	v15 =	vld.idx.msk [tilespmem:v15+s4+$0x0], $0xffff  }
0x27e: {  	v13 =	vld.idx.msk [tilespmem:v13+s4+$0x0], $0xffff;
	v4 =	vadd.s32 v2, v4  }
0x27f: {  	[tilespmem:s26+$0xFFFFFFD0] =	vst v14  }
0x280: {  	v62 =	vadd.s32 v2, v49;
	v3 =	vld.idx.msk [tilespmem:v3+s4+$0x0], $0xffff;
	[tilespmem:s30+$0xFFFFFF60] =	vst v6  }
0x281: {  	[tilespmem:s30+$0x60] =	vst v9;
	v10 =	vld.idx.msk [tilespmem:v10+s4+$0x0], $0xffff;
	v7 =	vadd.s32 v2, v7  }
0x282: {  	v63 =	vadd.s32 v2, v50;
	v20 =	vld.idx.msk [tilespmem:v61+s4+$0x0], $0xffff;
	[tilespmem:s25+$0xA0] =	vst v15  }
0x283: {  	[tilespmem:s28+$0x70] =	vst v13;
	v4 =	vld.idx.msk [tilespmem:v4+s4+$0x0], $0xffff  }
0x284: {  	v13 =	vld [tilespmem:$0x1FD10]  }
0x285: {  	v1 =	vadd.s32 v2, v1;
	v9 =	vld.idx.msk [tilespmem:v62+s4+$0x0], $0xffff  }
0x286: {  	[tilespmem:s28+$0xFFFFFF70] =	vst v3;
	v7 =	vld.idx.msk [tilespmem:v7+s4+$0x0], $0xffff  }
0x287: {  	v3 =	vadd.s32 v2, v36;
	[tilespmem:s30+$0xFFFFFF70] =	vst v10;
	v6 =	vld.idx.msk [tilespmem:v63+s4+$0x0], $0xffff  }
0x288: {  	[tilespmem:s30+$0x70] =	vst v20  }
0x289: {  	v15 =	vadd.s32 v2, v45;
	[tilespmem:s25+$0xFFFFFF90] =	vst v4  }
0x28a: {  	v14 =	vadd.s32 v2, v59;
	v1 =	vld.idx.msk [tilespmem:v1+s4+$0x0], $0xffff;
	[tilespmem:s28+$0x80] =	vst v9  }
0x28b: {  	v13 =	vadd.s32 v2, v13;
	[tilespmem:s26+$0xE0] =	vst v7  }
0x28c: {  	v22 =	vadd.s32 v2, v48;
	v3 =	vld.idx.msk [tilespmem:v3+s4+$0x0], $0xffff;
	[tilespmem:s28+$0xFFFFFF80] =	vst v6  }
0x28d: {  	v23 =	vadd.s32 v2, v56;
	v6 =	vld [tilespmem:$0x1FD30]  }
0x28e: {  	v36 =	vadd.s32 v2, v37;
	v15 =	vld.idx.msk [tilespmem:v15+s4+$0x0], $0xffff  }
0x28f: {  	v14 =	vld.idx.msk [tilespmem:v14+s4+$0x0], $0xffff;
	[tilespmem:s30+$0x80] =	vst v1;
	v1 =	vadd.s32 v2, v40  }
0x290: {  	v32 =	vld.idx.msk [tilespmem:v13+s4+$0x0], $0xffff;
	v13 =	vadd.s32 v2, v19  }
0x291: {  	v10 =	vld.idx.msk [tilespmem:v22+s4+$0x0], $0xffff  }
0x292: {  	v4 =	vld.idx.msk [tilespmem:v23+s4+$0x0], $0xffff;
	[tilespmem:s25+$0xB0] =	vst v3;
	v6 =	vadd.s32 v2, v6  }
0x293: {  	v3 =	vld.idx.msk [tilespmem:v36+s4+$0x0], $0xffff;
	[tilespmem:s28+$0x90] =	vst v15  }
0x294: {  	[tilespmem:s30+$0xFFFFFF80] =	vst v14;
	v1 =	vld.idx.msk [tilespmem:v1+s4+$0x0], $0xffff  }
0x295: {  	v14 =	vadd.s32 v2, v44;
	[tilespmem:s26+$0xFFFFFFE0] =	vst v32;
	v40 =	vld.idx.msk [tilespmem:v13+s4+$0x0], $0xffff  }
0x296: {  	v37 =	vadd.s32 v2, v11;
	v13 =	vld [tilespmem:$0x1FD40]  }
0x297: {  	v48 =	vadd.s32 v2, v42;
	[tilespmem:s28+$0xFFFFFF90] =	vst v10;
	v6 =	vld.idx.msk [tilespmem:v6+s4+$0x0], $0xffff  }
0x298: {  	[tilespmem:s30+$0x90] =	vst v4  }
0x299: {  	v45 =	vadd.s32 v2, v43;
	[tilespmem:s25+$0xFFFFFFA0] =	vst v3  }
0x29a: {  	v44 =	vadd.s32 v2, v60;
	v14 =	vld.idx.msk [tilespmem:v14+s4+$0x0], $0xffff;
	[tilespmem:s28+$0xA0] =	vst v1  }
0x29b: {  	v7 =	vld.idx.msk [tilespmem:v37+s4+$0x0], $0xffff;
	[tilespmem:s30+$0xFFFFFF90] =	vst v40;
	v13 =	vadd.s32 v2, v13  }
0x29c: {  	v49 =	vadd.s32 v2, v41;
	v4 =	vld.idx.msk [tilespmem:v48+s4+$0x0], $0xffff;
	[tilespmem:s26+$0xF0] =	vst v6  }
0x29d: {  	v3 =	vadd.s32 v2, v58;
	v1 =	vld [tilespmem:$0x1FD70]  }
0x29e: {  	v51 =	vadd.s32 v2, v39;
	v10 =	vld.idx.msk [tilespmem:v45+s4+$0x0], $0xffff  }
0x29f: {  	v9 =	vld.idx.msk [tilespmem:v44+s4+$0x0], $0xffff;
	[tilespmem:s28+$0xFFFFFFA0] =	vst v14;
	v14 =	vadd.s32 v2, v47  }
0x2a0: {  	v50 =	vld.idx.msk [tilespmem:v13+s4+$0x0], $0xffff;
	v13 =	vadd.s32 v2, v57  }
0x2a1: {  	[tilespmem:s30+$0xA0] =	vst v7;
	v11 =	vld.idx.msk [tilespmem:v49+s4+$0x0], $0xffff  }
0x2a2: {  	[tilespmem:s28+$0xB0] =	vst v4;
	v3 =	vld.idx.msk [tilespmem:v3+s4+$0x0], $0xffff;
	v1 =	vadd.s32 v2, v1  }
0x2a3: {  	[tilespmem:s25+$0xFFFFFFB0] =	vst v10;
	v7 =	vld.idx.msk [tilespmem:v51+s4+$0x0], $0xffff  }
0x2a4: {  	v52 =	vadd.s32 v2, v38;
	[tilespmem:s30+$0xFFFFFFA0] =	vst v9;
	v14 =	vld.idx.msk [tilespmem:v14+s4+$0x0], $0xffff  }
0x2a5: {  	[tilespmem:s26+$0xFFFFFFF0] =	vst v50;
	v13 =	vld.idx.msk [tilespmem:v13+s4+$0x0], $0xffff  }
0x2a6: {  	v4 =	vld [tilespmem:$0x1FD80]  }
0x2a7: {  	[tilespmem:s28+$0xFFFFFFB0] =	vst v11;
	v1 =	vld.idx.msk [tilespmem:v1+s4+$0x0], $0xffff  }
0x2a8: {  	v54 =	vadd.s32 v2, v53;
	v11 =	vld [tilespmem:$0x1FD90]  }
0x2a9: {  	v55 =	vadd.s32 v2, v18;
	[tilespmem:s30+$0xB0] =	vst v3;
	v9 =	vld.idx.msk [tilespmem:v52+s4+$0x0], $0xffff  }
0x2aa: {  	v3 =	vld [tilespmem:$0x1FDE0];
	[tilespmem:s30+$0xFFFFFFB0] =	vst v13  }
0x2ab: {  	v13 =	vld [tilespmem:$0x1FDF0]  }
0x2ac: {  	v4 =	vadd.s32 v2, v4;
	[tilespmem:s25+$0xFFFFFFC0] =	vst v14  }
0x2ad: {  	v6 =	vld.idx.msk [tilespmem:v54+s4+$0x0], $0xffff;
	[tilespmem:s28+$0xC0] =	vst v7;
	v11 =	vadd.s32 v2, v11  }
0x2ae: {  	v10 =	vld.idx.msk [tilespmem:v55+s4+$0x0], $0xffff;
	[tilespmem:s25+$0xC0] =	vst v1;
	v1 =	vadd.s32 v2, v12  }
0x2af: {  	v3 =	vadd.s32 v2, v3;
	v57 =	vld [tilespmem:$0x1FDB0];
	[tilespmem:s28+$0xFFFFFFC0] =	vst v9  }
0x2b0: {  	v9 =	vld [tilespmem:$0x1FDA0];
	v13 =	vadd.s32 v2, v13  }
0x2b1: {  	v4 =	vld.idx.msk [tilespmem:v4+s4+$0x0], $0xffff  }
0x2b2: {  	[tilespmem:s30+$0xC0] =	vst v6;
	v56 =	vld.idx.msk [tilespmem:v11+s4+$0x0], $0xffff  }
0x2b3: {  	v12 =	vadd.s32 v2, v16;
	v1 =	vld.idx.msk [tilespmem:v1+s4+$0x0], $0xffff  }
0x2b4: {  	v3 =	vld.idx.msk [tilespmem:v3+s4+$0x0], $0xffff  }
0x2b5: {  	v58 =	vld.idx.msk [tilespmem:v13+s4+$0x0], $0xffff  }
0x2b6: {  	v11 =	vadd.s32 v2, v57;
	v13 =	vld [tilespmem:$0x1FE10];
	[tilespmem:s30+$0xFFFFFFC0] =	vst v10  }
0x2b7: {  	v10 =	vld [tilespmem:$0x1FE00];
	[tilespmem:s25+$0xD0] =	vst v4  }
0x2b8: {  	v59 =	vld.idx.msk [tilespmem:v12+s4+$0x0], $0xffff;
	[tilespmem:s25+$0xFFFFFFD0] =	vst v56  }
0x2b9: {  	[tilespmem:s28+$0xD0] =	vst v3  }
0x2ba: {  	v0 =	vadd.s32 v2, v0;
	v3 =	vld [tilespmem:$0x1FDC0]  }
0x2bb: {  	v9 =	vadd.s32 v2, v9;
	v60 =	vld.idx.msk [tilespmem:v11+s4+$0x0], $0xffff;
	[tilespmem:s28+$0xFFFFFFD0] =	vst v58  }
0x2bc: {  	v13 =	vadd.s32 v2, v13;
	v6 =	vld [tilespmem:$0x1FDD0];
	[tilespmem:s30+$0xD0] =	vst v1  }
0x2bd: {  	v10 =	vadd.s32 v2, v10;
	v1 =	vld [tilespmem:$0x1FE20];
	[tilespmem:s30+$0xFFFFFFD0] =	vst v59  }
0x2be: {  	v8 =	vadd.s32 v2, v8;
	v12 =	vld [tilespmem:$0x1FE30]  }
0x2bf: {  	v0 =	vld.idx.msk [tilespmem:v0+s4+$0x0], $0xffff;
	v3 =	vadd.s32 v2, v3  }
0x2c0: {  	v5 =	vadd.s32 v2, v5;
	v9 =	vld.idx.msk [tilespmem:v9+s4+$0x0], $0xffff  }
0x2c1: {  	v61 =	vld.idx.msk [tilespmem:v13+s4+$0x0], $0xffff;
	v13 =	vimm.s32 $0xF;
	v6 =	vadd.s32 v2, v6  }
0x2c2: {  	v10 =	vld.idx.msk [tilespmem:v10+s4+$0x0], $0xffff;
	v62 =	vperm.xlane v46, v13;
	v1 =	vadd.s32 v2, v1  }
0x2c3: {  	[tilespmem:s25+$0xE0] =	vst v60;
	v63 =	vld.idx.msk [tilespmem:v8+s4+$0x0], $0xffff;
	v12 =	vadd.s32 v2, v12  }
0x2c4: {  	[tilespmem:s30+$0xE0] =	vst v0;
	v3 =	vld.idx.msk [tilespmem:v3+s4+$0x0], $0xffff;
	v4 =	vadd.s32 v2, v62  }
0x2c5: {  	[tilespmem:s25+$0xFFFFFFE0] =	vst v9;
	v5 =	vld.idx.msk [tilespmem:v5+s4+$0x0], $0xffff  }
0x2c6: {  	[tilespmem:s28+$0xE0] =	vst v61;
	v6 =	vld.idx.msk [tilespmem:v6+s4+$0x0], $0xffff  }
0x2c7: {  	[tilespmem:s28+$0xFFFFFFE0] =	vst v10;
	v1 =	vld.idx.msk [tilespmem:v1+s4+$0x0], $0xffff  }
0x2c8: {  	[tilespmem:s30+$0xFFFFFFE0] =	vst v63;
	v0 =	vld.idx.msk [tilespmem:v12+s4+$0x0], $0xffff  }
0x2c9: {  	[tilespmem:s25+$0xF0] =	vst v3;
	v3 =	vld.idx.msk [tilespmem:v4+s4+$0x0], $0xffff  }
0x2ca: {  	[tilespmem:s30+$0xF0] =	vst v5  }
0x2cb: {  	[tilespmem:s25+$0xFFFFFFF0] =	vst v6  }
0x2cc: {  	[tilespmem:s28+$0xF0] =	vst v1  }
0x2cd: {  	[tilespmem:s28+$0xFFFFFFF0] =	vst v0  }
0x2ce: {  	[tilespmem:s30+$0xFFFFFFF0] =	vst v3  }
0x2cf: {  	v0 =	vld [tilespmem:$0x11C0];
	_ =	sdelay $0x4  }
0x2d0: {  	v0 =	vshll.u32 v0, $0x4  }
0x2d1: {  	v1 =	vperm.xlane v0, v33;
	_ =	sdelay $0x1  }
0x2d2: {  	v1 =	vadd.s32 v2, v1;
	_ =	sdelay $0x3  }
0x2d3: {  	v3 =	vperm.xlane v0, v34  }
0x2d4: {  	v1 =	vld.idx.msk [tilespmem:v1+s4+$0x0], $0xffff  }
0x2d5: {  	v3 =	vadd.s32 v2, v3;
	_ =	sdelay $0x3  }
0x2d6: {  	[tilespmem:$0x10B00] =	vst v1  }
0x2d7: {  	v1 =	vperm.xlane v0, v35;
	v3 =	vld.idx.msk [tilespmem:v3+s4+$0x0], $0xffff;
	_ =	sdelay $0x1  }
0x2d8: {  	v1 =	vadd.s32 v2, v1;
	_ =	sdelay $0x2  }
0x2d9: {  	[tilespmem:$0x10B10] =	vst v3;
	v3 =	vimm.s32 $0x3  }
0x2da: {  	v3 =	vperm.xlane v0, v3  }
0x2db: {  	v1 =	vld.idx.msk [tilespmem:v1+s4+$0x0], $0xffff  }
0x2dc: {  	v3 =	vadd.s32 v2, v3;
	_ =	sdelay $0x3  }
0x2dd: {  	[tilespmem:$0x10B20] =	vst v1;
	v1 =	vimm.s32 $0x4  }
0x2de: {  	v1 =	vperm.xlane v0, v1;
	v3 =	vld.idx.msk [tilespmem:v3+s4+$0x0], $0xffff;
	_ =	sdelay $0x1  }
0x2df: {  	v1 =	vadd.s32 v2, v1;
	_ =	sdelay $0x2  }
0x2e0: {  	[tilespmem:$0x10B30] =	vst v3;
	v3 =	vimm.s32 $0x5  }
0x2e1: {  	v3 =	vperm.xlane v0, v3  }
0x2e2: {  	v1 =	vld.idx.msk [tilespmem:v1+s4+$0x0], $0xffff  }
0x2e3: {  	v3 =	vadd.s32 v2, v3;
	_ =	sdelay $0x3  }
0x2e4: {  	[tilespmem:$0x10B40] =	vst v1;
	v1 =	vimm.s32 $0x6  }
0x2e5: {  	v1 =	vperm.xlane v0, v1;
	v3 =	vld.idx.msk [tilespmem:v3+s4+$0x0], $0xffff;
	_ =	sdelay $0x1  }
0x2e6: {  	v1 =	vadd.s32 v2, v1;
	_ =	sdelay $0x2  }
0x2e7: {  	[tilespmem:$0x10B50] =	vst v3;
	v3 =	vimm.s32 $0x7  }
0x2e8: {  	v3 =	vperm.xlane v0, v3  }
0x2e9: {  	v1 =	vld.idx.msk [tilespmem:v1+s4+$0x0], $0xffff  }
0x2ea: {  	v3 =	vadd.s32 v2, v3;
	_ =	sdelay $0x3  }
0x2eb: {  	[tilespmem:$0x10B60] =	vst v1;
	v1 =	vimm.s32 $0x8  }
0x2ec: {  	v1 =	vperm.xlane v0, v1;
	v3 =	vld.idx.msk [tilespmem:v3+s4+$0x0], $0xffff;
	_ =	sdelay $0x1  }
0x2ed: {  	v1 =	vadd.s32 v2, v1;
	_ =	sdelay $0x2  }
0x2ee: {  	[tilespmem:$0x10B70] =	vst v3;
	v3 =	vimm.s32 $0x9  }
0x2ef: {  	v3 =	vperm.xlane v0, v3  }
0x2f0: {  	v1 =	vld.idx.msk [tilespmem:v1+s4+$0x0], $0xffff  }
0x2f1: {  	v3 =	vadd.s32 v2, v3;
	_ =	sdelay $0x3  }
0x2f2: {  	[tilespmem:$0x10B80] =	vst v1;
	v1 =	vimm.s32 $0xA  }
0x2f3: {  	v1 =	vperm.xlane v0, v1;
	v3 =	vld.idx.msk [tilespmem:v3+s4+$0x0], $0xffff;
	_ =	sdelay $0x1  }
0x2f4: {  	v1 =	vadd.s32 v2, v1;
	_ =	sdelay $0x2  }
0x2f5: {  	[tilespmem:$0x10B90] =	vst v3;
	v3 =	vimm.s32 $0xB  }
0x2f6: {  	v3 =	vperm.xlane v0, v3  }
0x2f7: {  	v1 =	vld.idx.msk [tilespmem:v1+s4+$0x0], $0xffff  }
0x2f8: {  	v3 =	vadd.s32 v2, v3;
	_ =	sdelay $0x3  }
0x2f9: {  	[tilespmem:$0x10BA0] =	vst v1;
	v1 =	vimm.s32 $0xC  }
0x2fa: {  	v1 =	vperm.xlane v0, v1;
	v3 =	vld.idx.msk [tilespmem:v3+s4+$0x0], $0xffff;
	_ =	sdelay $0x1  }
0x2fb: {  	v1 =	vadd.s32 v2, v1;
	_ =	sdelay $0x2  }
0x2fc: {  	[tilespmem:$0x10BB0] =	vst v3;
	v3 =	vimm.s32 $0xD  }
0x2fd: {  	v3 =	vperm.xlane v0, v3  }
0x2fe: {  	v1 =	vld.idx.msk [tilespmem:v1+s4+$0x0], $0xffff  }
0x2ff: {  	v3 =	vadd.s32 v2, v3;
	_ =	sdelay $0x3  }
0x300: {  	[tilespmem:$0x10BC0] =	vst v1;
	v1 =	vperm.xlane v0, v17  }
0x301: {  	v3 =	vld.idx.msk [tilespmem:v3+s4+$0x0], $0xffff  }
0x302: {  	v1 =	vadd.s32 v2, v1;
	_ =	sdelay $0x3  }
0x303: {  	v0 =	vperm.xlane v0, v13;
	[tilespmem:$0x10BD0] =	vst v3  }
0x304: {  	v1 =	vld.idx.msk [tilespmem:v1+s4+$0x0], $0xffff  }
0x305: {  	v0 =	vadd.s32 v2, v0;
	_ =	sdelay $0x3  }
0x306: {  	[tilespmem:$0x10BE0] =	vst v1  }
0x307: {  	v0 =	vld.idx.msk [tilespmem:v0+s4+$0x0], $0xffff;
	_ =	sdelay $0x2  }
0x308: {  	s2 =	sadd.s32 @!p1 s24, s11;
	s24 =	simm.s32 @!p1 $0x0;
	s23 =	sadd.s32 $0x1, s23  }
0x309: {  	s31 =	sshll.u32 s29, $0x1;
	s2 =	sshrl.u32 @!p1 s2, $0x3;
	p0 =	sne.s32 s23, $0x19  }
.Ltmp2:
0x30a: {  	s2 =	sadd.s32 @!p1 s1, s2;
	s25 =	simm.s32 @!p1 $0xA00;
	[tilespmem:$0x10BF0] =	vst v0;
	(pc) =	sbr.rel @p0 .LBB2_2-.Ltmp2, $4  }
0x30b: {  	v25 =	vimm.s32 $0xA;
	[tilespmem:s25], [sflag:$0x2] =	stream.linear.gather @!p1 [hbm4b:s2+s24], $0x7D0, $0x38;
	[tilespmem:$0x10C00] =	vst v63  }
0x30c: {  	v30 =	vimm.s32 $0xE;
	v31 =	vimm.s32 $0xF;
	v27 =	vimm.s32 $0xC;
	s2 =	sand.u32 $0x1FFFFFE0, s31  }
0x30d: {  	v29 =	vimm.s32 $0xD;
	v26 =	vimm.s32 $0xB;
	v32 =	vimm.s32 $0x4;
	s2 =	sadd.s32 s3, s2  }
0x30e: {  	v14 =	vimm.s32 $0x7;
	v59 =	vimm.s32 $0x3;
	v12 =	vimm.s32 $0x6;
	[hbm4b:s2+s4] =	stream.linear.scatter [tilespmem:s19], [sflag:$0x4], $0x7D00, $0x38;
	[tilespmem:$0x10C00] =	vst v63  }
0x30f: {  	s22 =	sadd.s32 $0x1, s22  }
0x310: {  	_ =	swait.ge [sflag:s20], $0x7D00;
	p0 =	sne.s32 s22, s12  }
.Ltmp3:
0x311: {  	[sflag:s20] =	ssyncset.done $0x0;
	(pc) =	sbr.rel @p0 .LBB2_1-.Ltmp3, $4  }
0x312: {  	[sflag:s20] =	ssyncadd.s32 $0xFFFF8300  }
0x313: {  	_ =	swait.ge [sflag:s21], $0x7D00  }
0x314: {  	[sflag:s21] =	ssyncset.done $0x0  }
0x315: {  	[sflag:s21] =	ssyncadd.s32 $0xFFFF8300  }
0x316: {  	_ =	sfence.sel $0x180000  }
0x317: {  	[bflag:$0x0] =	sbarrier.arrive $0xFFFF  }
0x318: {  	_ =	strace $0x90000047  }
0x319: {  	[bflag:$0x2] =	sbarrier.arrive $0xFFFF  }
0x31a: {  	p0 =	sne.s32 s0, $0x0;
	s0 =	rddreg [dreg:$0x3]  }
0x31b: {  	s0 =	sadd.s32 @!p0 $0x100000, s0  }
0x31c: {  	[sflag:s0] =	ssyncadd.tile.s32 @!p0 $0x1;
	_ =	shalt  }
.Lfunc_end2:
_tile_overlayer_lowered:
.L_overlay_start_2:
0x31d: {  	(tag) =	ssettag $0x2  }
0x31e: {  	s0 =	rddreg [dreg:$0x0];
	s2 =	stileid.u32  }
0x31f: {  	s1 =	rddreg [dreg:$0x1];
	p0 =	sne.s32 s2, $0x0  }
0x320: {  	s3 =	rddreg [dreg:$0x2];
	[bflag:$0x3] =	sbarrier.arrive $0xFFFF;
	s2 =	simm.s32 @!p0 $0x1C05  }
0x321: {  	[timem:s3], [sflag:s2] =	dma.local @!p0 [hbm:s0], s1  }
0x322: {  	s0 =	simm.s32 @!p0 $0x5  }
0x323: {  	_ =	swait.ge @!p0 [sflag:s0], s1  }
0x324: {  	s1 =	ssub.s32 @!p0 $0x0, s1;
	[sflag:s0] =	ssyncset.done @!p0 $0x0  }
0x325: {  	[sflag:s0] =	ssyncadd.s32 @!p0 s1  }
0x326: {  	[bflag:$0x3] =	sbarrier.arrive $0xFFFF  }
0x327: {  	_ =	shalt  }

// kernel: sparse-core-data-format-call.cloned.1.call-start
scs
called_computation_lowered:
.L_overlay_start_0:
0x0: {  	s2 =	sld [smem:$0x3FD9]  }
0x1: {  	s3 =	sld [smem:$0x3FFE];
	_ =	sdelay $0x1  }
0x2: {  	s1 =	srdreg.scid  }
0x3: {  	s0 =	sand.u32 $0x1, s1  }
0x4: {  	s18 =	sshll.u32 s0, $0xA;
	s2 =	sadd.s32 s3, s2  }
0x5: {  	s2 =	sadd.s32 s2, s18  }
0x6: {  	[smem:$0x3FC6] =	sst s2  }
0x7: {  	_ = 	snop  }
0x8: {  	s2 =	sld [smem:$0x3FD0];
	(tm) =	ssettm $0x1  }
0x9: {  	s19 =	sld [smem:$0x3FFB];
	_ =	sdelay $0x3  }
0xa: {  	_ =	strace s19  }
0xb: {  	s3 =	sld [smem:$0x3FFC];
	_ =	sdelay $0x3  }
0xc: {  	_ =	strace s3  }
0xd: {  	s3 =	sld [smem:$0x3FFD];
	_ =	sdelay $0x3  }
0xe: {  	_ =	strace s3  }
0xf: {  	_ =	strace $0x8FFFFFFF  }
0x10: {  	s20 =	sld [smem:$0x3FDB];
	_ =	sdelay $0x1  }
0x11: {  	s4 =	simm.s32 $_scs_section_size  }
0x12: {  	s5 =	simm.s32 $_size__tile_overlayer_lowered;
	s6 =	simm.s32 $_tile_overlayer_lowered  }
0x13: {  	s23 =	simm.s32 $0x1BFF;
	s22 =	sshll.u32 s6, $0x1;
	s3 =	sadd.s32 s4, s20  }
0x14: {  	s7 =	simm.s32 $0x0;
	s21 =	sshll.u32 s5, $0x1;
	s5 =	sadd.s32 s22, s3  }
0x15: {  	[timem:s7], [sflag:s23] =	dma.local [hbm:s5], s21  }
0x16: {  	_ =	swait.ge [sflag:s23], s21  }
0x17: {  	s4 =	ssub.s32 $0x0, s21;
	[sflag:s23] =	ssyncset.done $0x0  }
0x18: {  	[sflag:s23] =	ssyncadd.s32 s4;
	_ =	sdelay $0x1  }
0x19: {  	s24 =	simm.s32 $0x1B8B  }
0x1a: {  	_ =	swait.ge [sflag:s24], $0x1  }
0x1b: {  	[sflag:s24] =	ssyncset.done $0x0  }
0x1c: {  	s26 =	simm.s32 $0x1B8E;
	s25 =	sld [smem:$0x3FFE];
	[sflag:s24] =	ssyncadd.s32 $0xFFFFFFFF  }
0x1d: {  	s27 =	simm.s32 $execute0_lowered;
	[smem:$0x3FD2] =	sst s26  }
0x1e: {  	s5 =	sshll.u32 s27, $0x1;
	_ =	strace $0x80000049;
	[dreg:$0x1] =	wrdreg $0xFFFFFFFF  }
0x1f: {  	s28 =	simm.s32 $_size_execute0_lowered;
	s3 =	sadd.s32 s3, s5;
	[dreg:$0x0] =	wrdreg $0x0  }
0x20: {  	s5 =	sshll.u32 s28, $0x1;
	[dreg:$0x2] =	wrdreg s3  }
0x21: {  	[dreg:$0x3] =	wrdreg s5  }
0x22: {  	[dreg:$0x4] =	wrdreg $0xC0  }
0x23: {  	_ =	task [dreg:s7], $0x5FFFF  }
0x24: {  	[dreg:$0x1] =	wrdreg $0xFFFFFFFF  }
0x25: {  	[dreg:$0x0] =	wrdreg $0x60  }
0x26: {  	[dreg:$0x2] =	wrdreg s25  }
0x27: {  	[dreg:$0x3] =	wrdreg s2  }
0x28: {  	[dreg:$0x4] =	wrdreg $0x9  }
0x29: {  	_ =	task.clear_ibuf [dreg:s7], $0x5FFFF;
	_ =	strace $0x90000049  }
0x2a: {  	s29 =	simm.s32 $0x9;
	_ =	strace $0x8000004B  }
0x2b: {  	_ =	swait.ge [sflag:s29], $0x1  }
0x2c: {  	[sflag:s29] =	ssyncadd.s32 $0xFFFFFFFF  }
0x2d: {  	_ =	strace $0x9000004B  }
0x2e: {  	_ =	sfence  }
0x2f: {  	s30 =	sld [smem:$0x0];
	_ =	sdelay $0x2  }
0x30: {  	s31 =	sshll.u32 s1, $0xD;
	s1 =	sshrl.u32 s1, $0x2  }
0x31: {  	s3 =	sand.u32 $0x4000, s31;
	s1 =	sadd.s32 s1, s30  }
0x32: {  	s0 =	sor.u32 s3, s0;
	s1 =	sshll.u32 s1, $0x11  }
0x33: {  	s0 =	sor.u32 s1, s0  }
0x34: {  	s0 =	sadd.s32 $0x8F2B, s0  }
0x35: {  	[sflag:s0] =	ssyncadd.remote.s32 $0x1  }
0x36: {  	_ =	sfence.sel $0xFFFF  }
0x37: {  	[dreg:$0x0] =	wrdreg $0xFFFFFFFF;
	(pc) =	sbr.abs _section_cstart, $3  }
0x38: {  	[dreg:$0x1] =	wrdreg $0xFFFFFFFF  }
0x39: {  	_ =	task.clear_ibuf [dreg:s7], $0x2FFFF;
	_ =	strace $0x9FFFFFFF  }
0x3a: {  	(tm) =	ssettm $0x7FFFFFFF  }
0x3b: {  	_ =	shalt  }
tec
execute0_lowered:
.L_overlay_start_1:
0x0: {  	(tag) =	ssettag $0x1  }
0x1: {  	s0 =	srdreg.scid  }
0x2: {  	s1 =	sshll.u32 s0, $0x4  }
0x3: {  	s4 =	rddreg [dreg:$0x0];
	s0 =	stileid.u32;
	s1 =	sand.u32 $0x10, s1  }
0x4: {  	s2 =	rddreg [dreg:$0x1];
	s7 =	simm.s32 $0x1;
	s1 =	sor.u32 s0, s1  }
0x5: {  	s8 =	simm.s32 $0x2;
	s11 =	simm.s32 $0x0;
	s3 =	sshll.u32 s1, $0x7  }
0x6: {  	s10 =	simm.s32 $0x0;
	s4 =	sadd.s32 $0x800, s4;
	s6 =	ssub.s32 $0x30D400, s3  }
.Ltmp0:
0x7: {  	s1 =	rddreg [dreg:$0x2];
	s5 =	sand.u32 $0xF80, s6;
	(pc) =	sbr.rel .LBB1_1-.Ltmp0, $4  }
0x8: {  	_ =	strace $0x8000004A;
	s9 =	smov.u32 s3;
	p0 =	sne.s32 s5, $0x0  }
0x9: {  	s6 =	sshrl.u32 s6, $0xC;
	s5 =	simm.s32 $0x1;
	s7 =	simm.s32 @!p0 $0x0  }
0xa: {  	[sflag:s5] =	ssyncpa.u1 $0x0;
	p0 =	por $0x0, $0x0;
	s6 =	sadd.s32 s7, s6  }
0xb: {  	[sflag:s8] =	ssyncpa.u1 $0x0;
	s8 =	simm.s32 $0x186A000;
	s7 =	sadd.s32 $0x1, s6  }
.LBB1_4:
0xc: {  	s14 =	sshll.u32 s11, $0x3  }
0xd: {  	s15 =	sshrl.u32 s14, $0xA  }
0xe: {  	s15 =	smulhi.u32 $0x53E2D7, s15;
	_ =	sdelay $0x1  }
0xf: {  	s15 =	sshrl.u32 s15, $0x2  }
0x10: {  	s28 =	sand.u32 $0x7F, s11;
	s14 =	sand.u32 $0xFFFFFC00, s14;
	s16 =	smul.u32 $0x30D400, s15  }
0x11: {  	[tilespmem:s12+$0xFFFFFFFC ss:$0x81] =	vst.msk $0xffff, v1;
	s11 =	sor.u32 s28, s14;
	s29 =	sand.u32 $0xF, s15  }
0x12: {  	[tilespmem:s12+$0xFFFFFFFD ss:$0x81] =	vst.msk $0xffff, v2;
	s14 =	smul.u32 $0x61A80, s29;
	s11 =	ssub.s32 s11, s16  }
0x13: {  	[tilespmem:s12+$0xFFFFFFFE ss:$0x81] =	vst.msk $0xffff, v0;
	s30 =	sand.u32 $0x7, s11  }
0x14: {  	[tilespmem:s12+$0xFFFFFFFF ss:$0x81] =	vst.msk $0xffff, v4;
	s11 =	sshrl.u32 s11, $0x3;
	s14 =	sadd.s32 s2, s14;
	s15 =	sshll.u32 s30, $0x12  }
0x15: {  	[tilespmem:s12+$0xFFFFFFF9 ss:$0x81] =	vst.msk $0xffff, v3;
	s11 =	sadd.s32 s11, s14;
	s31 =	sor.u32 $0x400, s15  }
0x16: {  	[hbm4b:s11+s31] =	stream.strided.scatter [tilespmem:s13], [sflag:$0x2], $0x800, s8, s31, $0x20;
	[tilespmem:$0x2020] =	vst v63  }
.LBB1_5:
0x17: {  	s13 =	sadd.s32 $0x1000, s9  }
0x18: {  	p2 =	sgt.s32 s13, $0x30D3FF  }
0x19: {  	s13 =	smov.u32 @p2 s3;
	p2 =	sne.s32 s10, s7  }
.Ltmp1:
0x1a: {  	p1 =	slt.u32 s10, $0x2;
	(pc) =	sbr.rel @!p2 .LBB1_6-.Ltmp1, $4  }
0x1b: {  	s12 =	simm.s32 @!p1 $0x2  }
0x1c: {  	s14 =	sadd.s32 $0x1, s10;
	_ =	swait.ge @!p1 [sflag:s12], $0x800  }
0x1d: {  	s11 =	smov.u32 s9;
	p0 =	por !p0, !p0;
	[sflag:s12] =	ssyncset.done @!p1 $0x0  }
0x1e: {  	s10 =	smov.u32 s14;
	s9 =	smov.u32 s13;
	[sflag:s12] =	ssyncadd.s32 @!p1 $0xFFFFF800  }
.LBB1_1:
0x1f: {  	p1 =	sge.u32 s10, s6  }
0x20: {  	s12 =	sand.u32 @!p1 $0x1FFFFFF, s9  }
0x21: {  	s13 =	smulhi.u32 @!p1 $0x14F8B59, s12;
	_ =	sdelay $0x1  }
0x22: {  	s13 =	sshrl.u32 @!p1 s13, $0xE  }
0x23: {  	s13 =	smul.u32 @!p1 $0x30D400, s13;
	_ =	sdelay $0x1  }
0x24: {  	s31 =	sadd.s32 $0xFFFFFFFF, s10;
	s14 =	sxor.u32 @!p1 $0xFFFFFFFF, s10;
	s12 =	ssub.s32 @!p1 s12, s13  }
0x25: {  	s15 =	simm.s32 @!p1 $0x80;
	s14 =	sshll.u32 @!p1 s14, $0xB;
	s12 =	sshll.u32 @!p1 s12, $0x4  }
0x26: {  	s13 =	sand.u32 @!p1 $0x800, s14;
	s14 =	simm.s32 @!p1 $0x10;
	s12 =	sadd.s32 @!p1 s4, s12  }
0x27: {  	[tilespmem:s13], [sflag:$0x1] =	stream.strided.gather @!p1 [hbm4b:s12+s14], $0x800, s15, s14, $0x38;
	[tilespmem:$0x2020] =	vst v63  }
0x28: {  	p1 =	sge.u32 s31, s6  }
.Ltmp2:
0x29: {  	_ = 	snop;
	(pc) =	sbr.rel @p1 .LBB1_5-.Ltmp2, $1  }
0x2a: {  	_ =	sdelay $0x3  }
0x2b: {  	s12 =	simm.s32 $0x1  }
0x2c: {  	_ =	swait.ge [sflag:s5], $0x800;
	s12 =	simm.s32 @!p0 $0x0  }
0x2d: {  	[sflag:s5] =	ssyncset.done $0x0;
	s13 =	sshll.u32 s12, $0xB  }
0x2e: {  	[sflag:s5] =	ssyncadd.s32 $0xFFFFF800;
	s15 =	sor.u32 $0x40, s13  }
0x2f: {  	v3 =	vld [tilespmem:s15+$0x30]  }
0x30: {  	s12 =	smul.u32 $0x2040, s12;
	v4 =	vld [tilespmem:s15+$0xFFFFFFD0]  }
0x31: {  	v5 =	vld [tilespmem:s15+$0xFFFFFFE0]  }
0x32: {  	s31 =	sand.u32 $0x1, s10;
	s12 =	sshrl.u32 s12, $0x2;
	v1 =	vld [tilespmem:s15+$0xFFFFFFF0]  }
0x33: {  	s13 =	smul.u32 $0x2040, s31;
	v2 =	vld [tilespmem:s15+$0x0];
	s12 =	sor.u32 $0x1007, s12  }
0x34: {  	v0 =	vld [tilespmem:s15+$0x10];
	[tilespmem:s12+$0x0 ss:$0x81] =	vst.msk $0xffff, v3  }
0x35: {  	s13 =	sshrl.u32 s13, $0x2;
	[tilespmem:s12+$0xFFFFFFFA ss:$0x81] =	vst.msk $0xffff, v4;
	v4 =	vld [tilespmem:s15+$0x20]  }
0x36: {  	s14 =	simm.s32 $0x0;
	s13 =	sor.u32 $0x1000, s13;
	v3 =	vld [tilespmem:s15+$0xFFFFFFC0];
	[tilespmem:s12+$0xFFFFFFFB ss:$0x81] =	vst.msk $0xffff, v5;
	s15 =	sadd.s32 $0x80, s15  }
.LBB1_3:
0x37: {  	v5 =	vld [tilespmem:s15+$0x30];
	s14 =	sadd.s32 $0x8, s14;
	[tilespmem:s12+$0xFFFFFFFC ss:$0x81] =	vst.msk $0xffff, v1  }
0x38: {  	v6 =	vld [tilespmem:s15+$0xFFFFFFD0];
	p1 =	slt.u32 s14, $0x78;
	[tilespmem:s12+$0xFFFFFFFD ss:$0x81] =	vst.msk $0xffff, v2  }
0x39: {  	v7 =	vld [tilespmem:s15+$0xFFFFFFE0];
	[tilespmem:s12+$0xFFFFFFFE ss:$0x81] =	vst.msk $0xffff, v0  }
.Ltmp3:
0x3a: {  	v1 =	vld [tilespmem:s15+$0xFFFFFFF0];
	[tilespmem:s12+$0xFFFFFFFF ss:$0x81] =	vst.msk $0xffff, v4;
	(pc) =	sbr.rel @p1 .LBB1_3-.Ltmp3, $4  }
0x3b: {  	v2 =	vld [tilespmem:s15+$0x0];
	[tilespmem:s12+$0xFFFFFFF9 ss:$0x81] =	vst.msk $0xffff, v3;
	s12 =	sadd.s32 $0x8, s12  }
0x3c: {  	v0 =	vld [tilespmem:s15+$0x10];
	[tilespmem:s12+$0x0 ss:$0x81] =	vst.msk $0xffff, v5  }
0x3d: {  	[tilespmem:s12+$0xFFFFFFFA ss:$0x81] =	vst.msk $0xffff, v6;
	v4 =	vld [tilespmem:s15+$0x20]  }
0x3e: {  	v3 =	vld [tilespmem:s15+$0xFFFFFFC0];
	[tilespmem:s12+$0xFFFFFFFB ss:$0x81] =	vst.msk $0xffff, v7;
	s15 =	sadd.s32 $0x80, s15  }
.Ltmp4:
0x3f: {  	_ = 	snop;
	(pc) =	sbr.rel .LBB1_4-.Ltmp4, $1  }
0x40: {  	_ =	sdelay $0x3  }
.LBB1_6:
0x41: {  	_ =	sfence.sel $0x180000  }
0x42: {  	s2 =	simm.s32 $0x1;
	[bflag:$0x0] =	sbarrier.arrive $0xFFFF  }
0x43: {  	s31 =	simm.s32 $0x2;
	[sflag:s2] =	ssyncpa.u1 $0x1  }
0x44: {  	[sflag:s31] =	ssyncpa.u1 $0x1  }
0x45: {  	p0 =	sne.s32 s0, $0x0;
	_ =	strace $0x9000004A  }
0x46: {  	s0 =	sadd.s32 @!p0 $0x100000, s1;
	[bflag:$0x2] =	sbarrier.arrive $0xFFFF  }
0x47: {  	[sflag:s0] =	ssyncadd.tile.s32 @!p0 $0x1;
	_ =	shalt  }
.Lfunc_end1:
_tile_overlayer_lowered:
.L_overlay_start_2:
0x48: {  	(tag) =	ssettag $0x2  }
0x49: {  	s0 =	rddreg [dreg:$0x0];
	s2 =	stileid.u32  }
0x4a: {  	s1 =	rddreg [dreg:$0x1];
	p0 =	sne.s32 s2, $0x0  }
0x4b: {  	s3 =	rddreg [dreg:$0x2];
	[bflag:$0x3] =	sbarrier.arrive $0xFFFF;
	s2 =	simm.s32 @!p0 $0x1C01  }
0x4c: {  	[timem:s3], [sflag:s2] =	dma.local @!p0 [hbm:s0], s1  }
0x4d: {  	s0 =	simm.s32 @!p0 $0x1  }
0x4e: {  	_ =	swait.ge @!p0 [sflag:s0], s1  }
0x4f: {  	s1 =	ssub.s32 @!p0 $0x0, s1;
	[sflag:s0] =	ssyncset.done @!p0 $0x0  }
0x50: {  	[sflag:s0] =	ssyncadd.s32 @!p0 s1  }
0x51: {  	[bflag:$0x3] =	sbarrier.arrive $0xFFFF  }
0x52: {  	_ =	shalt  }

</sc_bundles>
